<compile_context>
chip_gen: v7x
topology: tpu7x:2x2x1
jax: 0.10.2.dev20260603
libtpu: 0.0.44.dev20260713+nightly
codegen_flags: <defaults>
</compile_context>

<pallas_src>
import functools

import jax
import jax.numpy as jnp
from jax import lax
from jax.experimental import pallas as pl
from jax.experimental.pallas import tpu as pltpu
from jax.experimental.pallas import tpu_sc as plsc

VOCAB = 100000
HIDDEN = 32
BATCH = 1024


@functools.cache
def _make_sc_gather():
    info = plsc.get_sparse_core_info()
    nc, ns = info.num_cores, info.num_subcores
    b_per_w = BATCH // (nc * ns)
    mesh = plsc.VectorSubcoreMesh(core_axis_name="c", subcore_axis_name="s")

    @functools.partial(
        pl.kernel,
        mesh=mesh,
        out_type=jax.ShapeDtypeStruct((BATCH, HIDDEN), jnp.float32),
        scratch_types=[
            pltpu.VMEM((b_per_w,), jnp.int32),
            pltpu.VMEM((b_per_w, HIDDEN), jnp.float32),
            pltpu.SemaphoreType.DMA,
        ],
        compiler_params=pltpu.CompilerParams(use_tc_tiling_on_sc=False),
    )
    def _sc_gather(idx_hbm, table_hbm, out_hbm, idx_v, rows_v, sem):
        wid = lax.axis_index("s") * nc + lax.axis_index("c")
        base = wid * b_per_w
        pltpu.sync_copy(idx_hbm.at[pl.ds(base, b_per_w)], idx_v)
        pltpu.async_copy(table_hbm.at[idx_v], rows_v, sem).wait()
        pltpu.sync_copy(rows_v, out_hbm.at[pl.ds(base, b_per_w)])

    return _sc_gather



_RB = 64
_NS = BATCH // _RB
_CW = 2048
_NC_FULL = 48
_MAIN = _NC_FULL * _CW
_TAIL = VOCAB - _MAIN


def _proj_body(h_ref, w_ref, b_ref, o_ref):
    h = h_ref[...]
    for k in range(_NC_FULL):
        sl = slice(k * _CW, (k + 1) * _CW)
        o_ref[:, sl] = (
            jnp.dot(h, w_ref[:, sl], preferred_element_type=jnp.float32)
            + b_ref[:, sl]
        )
    o_ref[:, _MAIN:VOCAB] = (
        jnp.dot(h, w_ref[:, _MAIN:VOCAB], preferred_element_type=jnp.float32)
        + b_ref[:, _MAIN:VOCAB]
    )


def _project(hidden, wt, bias2d, interpret=False):
    return pl.pallas_call(
        _proj_body,
        grid=(_NS,),
        interpret=interpret,
        in_specs=[
            pl.BlockSpec((_RB, HIDDEN), lambda i: (i, 0)),
            pl.BlockSpec((HIDDEN, VOCAB), lambda i: (0, 0)),
            pl.BlockSpec((1, VOCAB), lambda i: (0, 0)),
        ],
        out_specs=pl.BlockSpec((_RB, VOCAB), lambda i: (i, 0)),
        out_shape=jax.ShapeDtypeStruct((BATCH, VOCAB), jnp.float32),
        compiler_params=pltpu.CompilerParams(
            vmem_limit_bytes=100 * 1024 * 1024,
        ),
    )(hidden, wt, bias2d)


def kernel(input_ids, embed_table, proj_weight, proj_bias):
    ids = input_ids.astype(jnp.int32)
    hidden = _make_sc_gather()(ids, embed_table)
    return _project(hidden, proj_weight.T, proj_bias.reshape(1, VOCAB))

# --- scband reference (transcript-rebuilt; emitter-appended) ---
"""Pipeline reference for scband-toy-lm-9182640078915 (READ-ONLY COPY).

The authoritative reference and input builder live on the scoring server;
editing this copy changes nothing except your own understanding.
"""

import jax, jax.numpy as jnp
import numpy as np

VOCAB = 100000
HIDDEN = 32
BATCH = 1024

def setup_inputs(seed: int = 0) -> dict:
    key = jax.random.key(seed)
    k1, k2, k3, k4 = jax.random.split(key, 4)
    input_ids = jax.random.randint(k1, (BATCH,), 0, VOCAB, dtype=jnp.int64 if jax.config.jax_enable_x64 else jnp.int32)
    embed_table = jax.random.normal(k2, (VOCAB, HIDDEN), dtype=jnp.float32)
    # torch Linear: weight [out_features, in_features], bias [out_features]
    proj_weight = jax.random.normal(k3, (VOCAB, HIDDEN), dtype=jnp.float32) * (1.0 / np.sqrt(HIDDEN))
    proj_bias = jax.random.normal(k4, (VOCAB,), dtype=jnp.float32) * 0.01
    return {"input_ids": input_ids, "embed_table": embed_table, "proj_weight": proj_weight, "proj_bias": proj_bias}

def reference(input_ids, embed_table, proj_weight, proj_bias):
    # hidden = Embedding(input_ids)
    hidden = jnp.take(embed_table, input_ids, axis=0)  # [B, H]
    # logits = Linear(hidden) = hidden @ W.T + b
    logits = hidden @ proj_weight.T + proj_bias  # [B, V]
    return logits

if __name__ == "__main__":
    import jax
    _d = setup_inputs()
    print(jax.jit(kernel)(*tuple(_d.values())))

</pallas_src>

<mosaic_0001>
#map = affine_map<(d0, d1) -> (0)>
#map1 = affine_map<(d0, d1) -> (0, 0)>
module attributes {stable_mosaic.version = 14 : i64} {
  func.func @_sc_gather(%arg0: i32, %arg1: i32, %arg2: memref<1024xi32, #tpu.memory_space<hbm>>, %arg3: memref<100000x32xf32, #tpu.memory_space<hbm>>, %arg4: memref<1024x32xf32, #tpu.memory_space<hbm>>, %arg5: memref<32xi32, #tpu.memory_space<vmem>>, %arg6: memref<32x32xf32, #tpu.memory_space<vmem>>, %arg7: memref<!tpu.dma_semaphore, #tpu.memory_space<semaphore_mem>>) attributes {dimension_semantics = [#tpu.dimension_semantics<core_parallel>, #tpu.dimension_semantics<subcore_parallel>], iteration_bounds = array<i64: 2, 16>, scalar_prefetch = 0 : i64, scratch_operands = 3 : i64, tpu.core_type = #tpu.core_type<sc_vector_subcore>, window_params = [{transform_indices = #map}, {transform_indices = #map1}, {transform_indices = #map1}]} {
    %mul3A = arith.constant 2 : i32
    %mul3A_0 = arith.muli %arg1, %mul3A : i32
    %add3A = arith.addi %mul3A_0, %arg0 : i32
    %mul3A_1 = arith.constant 32 : i32
    %mul3A_2 = arith.muli %add3A, %mul3A_1 : i32
    "tpu.region"() ({
      %run_scoped3A = tpu.sem_alloc : memref<!tpu.dma_semaphore, #tpu.memory_space<semaphore_mem>>
      %dma_start3A_7 = tpu.memref_slice %arg2[%mul3A_2] : memref<1024xi32, #tpu.memory_space<hbm>> -> memref<32xi32, #tpu.memory_space<hbm>>
      %dma_start3A_8 = tpu.memref_slice %arg2[%mul3A_2] : memref<1024xi32, #tpu.memory_space<hbm>> -> memref<32xi32, #tpu.memory_space<hbm>>
      tpu.enqueue_dma source(%dma_start3A_8 : memref<32xi32, #tpu.memory_space<hbm>>) target(%arg5 : memref<32xi32, #tpu.memory_space<vmem>>) target_semaphore(%run_scoped3A : memref<!tpu.dma_semaphore, #tpu.memory_space<semaphore_mem>>)
      %dma_wait3A_9 = tpu.memref_slice %arg2[%mul3A_2] : memref<1024xi32, #tpu.memory_space<hbm>> -> memref<32xi32, #tpu.memory_space<hbm>>
      %dma_wait3A_10 = tpu.memref_slice %arg2[%mul3A_2] : memref<1024xi32, #tpu.memory_space<hbm>> -> memref<32xi32, #tpu.memory_space<hbm>>
      tpu.wait_dma2 semaphore(%run_scoped3A : memref<!tpu.dma_semaphore, #tpu.memory_space<semaphore_mem>>) src(%dma_wait3A_10 : memref<32xi32, #tpu.memory_space<hbm>>) dst(%arg5 : memref<32xi32, #tpu.memory_space<vmem>>)
      tpu.yield
    }) : () -> ()
    %dma_start3A = arith.constant 0 : i32
    %dma_start3A_3 = arith.constant 0 : i32
    %dma_start3A_4 = tpu.memref_slice %arg3[%dma_start3A, %dma_start3A_3] : memref<100000x32xf32, #tpu.memory_space<hbm>> -> memref<100000x32xf32, #tpu.memory_space<hbm>>
    tpu.enqueue_indirect_dma source(%dma_start3A_4 : memref<100000x32xf32, #tpu.memory_space<hbm>>) target(%arg6 : memref<32x32xf32, #tpu.memory_space<vmem>>) offsets(%arg5 : memref<32xi32, #tpu.memory_space<vmem>>) semaphore(%arg7 : memref<!tpu.dma_semaphore, #tpu.memory_space<semaphore_mem>>)
    %dma_wait3A = arith.constant 0 : i32
    %dma_wait3A_5 = arith.constant 0 : i32
    %dma_wait3A_6 = tpu.memref_slice %arg3[%dma_wait3A, %dma_wait3A_5] : memref<100000x32xf32, #tpu.memory_space<hbm>> -> memref<100000x32xf32, #tpu.memory_space<hbm>>
    tpu.wait_indirect_dma semaphore(%arg7 : memref<!tpu.dma_semaphore, #tpu.memory_space<semaphore_mem>>) src(%dma_wait3A_6 : memref<100000x32xf32, #tpu.memory_space<hbm>>) dst(%arg6 : memref<32x32xf32, #tpu.memory_space<vmem>>)
    "tpu.region"() ({
      %run_scoped3A = tpu.sem_alloc : memref<!tpu.dma_semaphore, #tpu.memory_space<semaphore_mem>>
      %dma_start3A_7 = arith.constant 0 : i32
      %dma_start3A_8 = tpu.memref_slice %arg4[%mul3A_2, %dma_start3A_7] : memref<1024x32xf32, #tpu.memory_space<hbm>> -> memref<32x32xf32, #tpu.memory_space<hbm>>
      %dma_start3A_9 = arith.constant 0 : i32
      %dma_start3A_10 = tpu.memref_slice %arg4[%mul3A_2, %dma_start3A_9] : memref<1024x32xf32, #tpu.memory_space<hbm>> -> memref<32x32xf32, #tpu.memory_space<hbm>>
      tpu.enqueue_dma source(%arg6 : memref<32x32xf32, #tpu.memory_space<vmem>>) target(%dma_start3A_10 : memref<32x32xf32, #tpu.memory_space<hbm>>) target_semaphore(%run_scoped3A : memref<!tpu.dma_semaphore, #tpu.memory_space<semaphore_mem>>)
      %dma_wait3A_11 = arith.constant 0 : i32
      %dma_wait3A_12 = tpu.memref_slice %arg4[%mul3A_2, %dma_wait3A_11] : memref<1024x32xf32, #tpu.memory_space<hbm>> -> memref<32x32xf32, #tpu.memory_space<hbm>>
      %dma_wait3A_13 = arith.constant 0 : i32
      %dma_wait3A_14 = tpu.memref_slice %arg4[%mul3A_2, %dma_wait3A_13] : memref<1024x32xf32, #tpu.memory_space<hbm>> -> memref<32x32xf32, #tpu.memory_space<hbm>>
      tpu.wait_dma2 semaphore(%run_scoped3A : memref<!tpu.dma_semaphore, #tpu.memory_space<semaphore_mem>>) src(%arg6 : memref<32x32xf32, #tpu.memory_space<vmem>>) dst(%dma_wait3A_14 : memref<32x32xf32, #tpu.memory_space<hbm>>)
      tpu.yield
    }) : () -> ()
    return
  }
}

module attributes {stable_mosaic.version = 14 : i64} {
  func.func @_proj_body(%arg0: i32, %arg1: memref<64x32xf32, #tpu.memory_space<vmem>>, %arg2: memref<32x100000xf32, #tpu.memory_space<vmem>>, %arg3: memref<1x100000xf32, #tpu.memory_space<vmem>>, %arg4: memref<64x100000xf32, #tpu.memory_space<vmem>>) attributes {dimension_semantics = [#tpu.dimension_semantics<arbitrary>], iteration_bounds = array<i64: 16>, scalar_prefetch = 0 : i64, scratch_operands = 0 : i64, tpu.core_type = #tpu.core_type<tc>, window_params = [{transform_indices = @transform_0, window_bounds = array<i64: 64, 32>}, {pipeline_mode = #tpu.pipeline_mode<synchronous>, transform_indices = @transform_1, window_bounds = array<i64: 32, 100000>}, {pipeline_mode = #tpu.pipeline_mode<synchronous>, transform_indices = @transform_2, window_bounds = array<i64: 1, 100000>}, {transform_indices = @transform_3, window_bounds = array<i64: 64, 100000>}]} {
    %get3A = arith.constant 0 : index
    %get3A_0 = arith.constant 0 : index
    %get3A_1 = vector.load %arg1[%get3A, %get3A_0] : memref<64x32xf32, #tpu.memory_space<vmem>>, vector<64x32xf32>
    %get3A_2 = arith.constant 0 : index
    %get3A_3 = arith.constant 0 : index
    %get3A_4 = vector.load %arg2[%get3A_2, %get3A_3] : memref<32x100000xf32, #tpu.memory_space<vmem>>, vector<32x2048xf32>
    %dot_general3A = arith.constant dense<0.000000e+00> : vector<64x2048xf32>
    %dot_general3A_5 = tpu.matmul %get3A_1, %get3A_4, %dot_general3A {dimension_numbers = #tpu.dot_dimension_numbers<[1], [0], [0], [1], [0, 0, 1, 1], [], []>, transpose_lhs_hint = false} : vector<64x32xf32>, vector<32x2048xf32>, vector<64x2048xf32> -> vector<64x2048xf32>
    %get3A_6 = arith.constant 0 : index
    %get3A_7 = arith.constant 0 : index
    %get3A_8 = vector.load %arg3[%get3A_6, %get3A_7] : memref<1x100000xf32, #tpu.memory_space<vmem>>, vector<1x2048xf32>
    %add3A = vector.broadcast %get3A_8 : vector<1x2048xf32> to vector<64x2048xf32>
    %add3A_9 = arith.addf %dot_general3A_5, %add3A : vector<64x2048xf32>
    %swap3A = arith.constant 0 : index
    %swap3A_10 = arith.constant 0 : index
    %swap3A_11 = vector.load %arg4[%swap3A, %swap3A_10] : memref<64x100000xf32, #tpu.memory_space<vmem>>, vector<64x2048xf32>
    tpu.vector_store %arg4[%swap3A, %swap3A_10], %add3A_9 {strides = array<i32>} : memref<64x100000xf32, #tpu.memory_space<vmem>>, vector<64x2048xf32>,
    %get3A_12 = arith.constant 0 : index
    %get3A_13 = arith.constant 2048 : index
    %get3A_14 = vector.load %arg2[%get3A_12, %get3A_13] : memref<32x100000xf32, #tpu.memory_space<vmem>>, vector<32x2048xf32>
    %dot_general3A_15 = arith.constant dense<0.000000e+00> : vector<64x2048xf32>
    %dot_general3A_16 = tpu.matmul %get3A_1, %get3A_14, %dot_general3A_15 {dimension_numbers = #tpu.dot_dimension_numbers<[1], [0], [0], [1], [0, 0, 1, 1], [], []>, transpose_lhs_hint = false} : vector<64x32xf32>, vector<32x2048xf32>, vector<64x2048xf32> -> vector<64x2048xf32>
    %get3A_17 = arith.constant 0 : index
    %get3A_18 = arith.constant 2048 : index
    %get3A_19 = vector.load %arg3[%get3A_17, %get3A_18] : memref<1x100000xf32, #tpu.memory_space<vmem>>, vector<1x2048xf32>
    %add3A_20 = vector.broadcast %get3A_19 : vector<1x2048xf32> to vector<64x2048xf32>
    %add3A_21 = arith.addf %dot_general3A_16, %add3A_20 : vector<64x2048xf32>
    %swap3A_22 = arith.constant 0 : index
    %swap3A_23 = arith.constant 2048 : index
    %swap3A_24 = vector.load %arg4[%swap3A_22, %swap3A_23] : memref<64x100000xf32, #tpu.memory_space<vmem>>, vector<64x2048xf32>
    tpu.vector_store %arg4[%swap3A_22, %swap3A_23], %add3A_21 {strides = array<i32>} : memref<64x100000xf32, #tpu.memory_space<vmem>>, vector<64x2048xf32>,
    %get3A_25 = arith.constant 0 : index
    %get3A_26 = arith.constant 4096 : index
    %get3A_27 = vector.load %arg2[%get3A_25, %get3A_26] : memref<32x100000xf32, #tpu.memory_space<vmem>>, vector<32x2048xf32>
    %dot_general3A_28 = arith.constant dense<0.000000e+00> : vector<64x2048xf32>
    %dot_general3A_29 = tpu.matmul %get3A_1, %get3A_27, %dot_general3A_28 {dimension_numbers = #tpu.dot_dimension_numbers<[1], [0], [0], [1], [0, 0, 1, 1], [], []>, transpose_lhs_hint = false} : vector<64x32xf32>, vector<32x2048xf32>, vector<64x2048xf32> -> vector<64x2048xf32>
    %get3A_30 = arith.constant 0 : index
    %get3A_31 = arith.constant 4096 : index
    %get3A_32 = vector.load %arg3[%get3A_30, %get3A_31] : memref<1x100000xf32, #tpu.memory_space<vmem>>, vector<1x2048xf32>
    %add3A_33 = vector.broadcast %get3A_32 : vector<1x2048xf32> to vector<64x2048xf32>
    %add3A_34 = arith.addf %dot_general3A_29, %add3A_33 : vector<64x2048xf32>
    %swap3A_35 = arith.constant 0 : index
    %swap3A_36 = arith.constant 4096 : index
    %swap3A_37 = vector.load %arg4[%swap3A_35, %swap3A_36] : memref<64x100000xf32, #tpu.memory_space<vmem>>, vector<64x2048xf32>
    tpu.vector_store %arg4[%swap3A_35, %swap3A_36], %add3A_34 {strides = array<i32>} : memref<64x100000xf32, #tpu.memory_space<vmem>>, vector<64x2048xf32>,
    %get3A_38 = arith.constant 0 : index
    %get3A_39 = arith.constant 6144 : index
    %get3A_40 = vector.load %arg2[%get3A_38, %get3A_39] : memref<32x100000xf32, #tpu.memory_space<vmem>>, vector<32x2048xf32>
    %dot_general3A_41 = arith.constant dense<0.000000e+00> : vector<64x2048xf32>
    %dot_general3A_42 = tpu.matmul %get3A_1, %get3A_40, %dot_general3A_41 {dimension_numbers = #tpu.dot_dimension_numbers<[1], [0], [0], [1], [0, 0, 1, 1], [], []>, transpose_lhs_hint = false} : vector<64x32xf32>, vector<32x2048xf32>, vector<64x2048xf32> -> vector<64x2048xf32>
    %get3A_43 = arith.constant 0 : index
    %get3A_44 = arith.constant 6144 : index
    %get3A_45 = vector.load %arg3[%get3A_43, %get3A_44] : memref<1x100000xf32, #tpu.memory_space<vmem>>, vector<1x2048xf32>
    %add3A_46 = vector.broadcast %get3A_45 : vector<1x2048xf32> to vector<64x2048xf32>
    %add3A_47 = arith.addf %dot_general3A_42, %add3A_46 : vector<64x2048xf32>
    %swap3A_48 = arith.constant 0 : index
    %swap3A_49 = arith.constant 6144 : index
    %swap3A_50 = vector.load %arg4[%swap3A_48, %swap3A_49] : memref<64x100000xf32, #tpu.memory_space<vmem>>, vector<64x2048xf32>
    tpu.vector_store %arg4[%swap3A_48, %swap3A_49], %add3A_47 {strides = array<i32>} : memref<64x100000xf32, #tpu.memory_space<vmem>>, vector<64x2048xf32>,
    %get3A_51 = arith.constant 0 : index
    %get3A_52 = arith.constant 8192 : index
    %get3A_53 = vector.load %arg2[%get3A_51, %get3A_52] : memref<32x100000xf32, #tpu.memory_space<vmem>>, vector<32x2048xf32>
    %dot_general3A_54 = arith.constant dense<0.000000e+00> : vector<64x2048xf32>
    %dot_general3A_55 = tpu.matmul %get3A_1, %get3A_53, %dot_general3A_54 {dimension_numbers = #tpu.dot_dimension_numbers<[1], [0], [0], [1], [0, 0, 1, 1], [], []>, transpose_lhs_hint = false} : vector<64x32xf32>, vector<32x2048xf32>, vector<64x2048xf32> -> vector<64x2048xf32>
    %get3A_56 = arith.constant 0 : index
    %get3A_57 = arith.constant 8192 : index
    %get3A_58 = vector.load %arg3[%get3A_56, %get3A_57] : memref<1x100000xf32, #tpu.memory_space<vmem>>, vector<1x2048xf32>
    %add3A_59 = vector.broadcast %get3A_58 : vector<1x2048xf32> to vector<64x2048xf32>
    %add3A_60 = arith.addf %dot_general3A_55, %add3A_59 : vector<64x2048xf32>
    %swap3A_61 = arith.constant 0 : index
    %swap3A_62 = arith.constant 8192 : index
    %swap3A_63 = vector.load %arg4[%swap3A_61, %swap3A_62] : memref<64x100000xf32, #tpu.memory_space<vmem>>, vector<64x2048xf32>
    tpu.vector_store %arg4[%swap3A_61, %swap3A_62], %add3A_60 {strides = array<i32>} : memref<64x100000xf32, #tpu.memory_space<vmem>>, vector<64x2048xf32>,
    %get3A_64 = arith.constant 0 : index
    %get3A_65 = arith.constant 10240 : index
    %get3A_66 = vector.load %arg2[%get3A_64, %get3A_65] : memref<32x100000xf32, #tpu.memory_space<vmem>>, vector<32x2048xf32>
    %dot_general3A_67 = arith.constant dense<0.000000e+00> : vector<64x2048xf32>
    %dot_general3A_68 = tpu.matmul %get3A_1, %get3A_66, %dot_general3A_67 {dimension_numbers = #tpu.dot_dimension_numbers<[1], [0], [0], [1], [0, 0, 1, 1], [], []>, transpose_lhs_hint = false} : vector<64x32xf32>, vector<32x2048xf32>, vector<64x2048xf32> -> vector<64x2048xf32>
    %get3A_69 = arith.constant 0 : index
    %get3A_70 = arith.constant 10240 : index
    %get3A_71 = vector.load %arg3[%get3A_69, %get3A_70] : memref<1x100000xf32, #tpu.memory_space<vmem>>, vector<1x2048xf32>
    %add3A_72 = vector.broadcast %get3A_71 : vector<1x2048xf32> to vector<64x2048xf32>
    %add3A_73 = arith.addf %dot_general3A_68, %add3A_72 : vector<64x2048xf32>
    %swap3A_74 = arith.constant 0 : index
    %swap3A_75 = arith.constant 10240 : index
    %swap3A_76 = vector.load %arg4[%swap3A_74, %swap3A_75] : memref<64x100000xf32, #tpu.memory_space<vmem>>, vector<64x2048xf32>
    tpu.vector_store %arg4[%swap3A_74, %swap3A_75], %add3A_73 {strides = array<i32>} : memref<64x100000xf32, #tpu.memory_space<vmem>>, vector<64x2048xf32>,
    %get3A_77 = arith.constant 0 : index
    %get3A_78 = arith.constant 12288 : index
    %get3A_79 = vector.load %arg2[%get3A_77, %get3A_78] : memref<32x100000xf32, #tpu.memory_space<vmem>>, vector<32x2048xf32>
    %dot_general3A_80 = arith.constant dense<0.000000e+00> : vector<64x2048xf32>
    %dot_general3A_81 = tpu.matmul %get3A_1, %get3A_79, %dot_general3A_80 {dimension_numbers = #tpu.dot_dimension_numbers<[1], [0], [0], [1], [0, 0, 1, 1], [], []>, transpose_lhs_hint = false} : vector<64x32xf32>, vector<32x2048xf32>, vector<64x2048xf32> -> vector<64x2048xf32>
    %get3A_82 = arith.constant 0 : index
    %get3A_83 = arith.constant 12288 : index
    %get3A_84 = vector.load %arg3[%get3A_82, %get3A_83] : memref<1x100000xf32, #tpu.memory_space<vmem>>, vector<1x2048xf32>
    %add3A_85 = vector.broadcast %get3A_84 : vector<1x2048xf32> to vector<64x2048xf32>
    %add3A_86 = arith.addf %dot_general3A_81, %add3A_85 : vector<64x2048xf32>
    %swap3A_87 = arith.constant 0 : index
    %swap3A_88 = arith.constant 12288 : index
    %swap3A_89 = vector.load %arg4[%swap3A_87, %swap3A_88] : memref<64x100000xf32, #tpu.memory_space<vmem>>, vector<64x2048xf32>
    tpu.vector_store %arg4[%swap3A_87, %swap3A_88], %add3A_86 {strides = array<i32>} : memref<64x100000xf32, #tpu.memory_space<vmem>>, vector<64x2048xf32>,
    %get3A_90 = arith.constant 0 : index
    %get3A_91 = arith.constant 14336 : index
    %get3A_92 = vector.load %arg2[%get3A_90, %get3A_91] : memref<32x100000xf32, #tpu.memory_space<vmem>>, vector<32x2048xf32>
    %dot_general3A_93 = arith.constant dense<0.000000e+00> : vector<64x2048xf32>
    %dot_general3A_94 = tpu.matmul %get3A_1, %get3A_92, %dot_general3A_93 {dimension_numbers = #tpu.dot_dimension_numbers<[1], [0], [0], [1], [0, 0, 1, 1], [], []>, transpose_lhs_hint = false} : vector<64x32xf32>, vector<32x2048xf32>, vector<64x2048xf32> -> vector<64x2048xf32>
    %get3A_95 = arith.constant 0 : index
    %get3A_96 = arith.constant 14336 : index
    %get3A_97 = vector.load %arg3[%get3A_95, %get3A_96] : memref<1x100000xf32, #tpu.memory_space<vmem>>, vector<1x2048xf32>
    %add3A_98 = vector.broadcast %get3A_97 : vector<1x2048xf32> to vector<64x2048xf32>
    %add3A_99 = arith.addf %dot_general3A_94, %add3A_98 : vector<64x2048xf32>
    %swap3A_100 = arith.constant 0 : index
    %swap3A_101 = arith.constant 14336 : index
    %swap3A_102 = vector.load %arg4[%swap3A_100, %swap3A_101] : memref<64x100000xf32, #tpu.memory_space<vmem>>, vector<64x2048xf32>
    tpu.vector_store %arg4[%swap3A_100, %swap3A_101], %add3A_99 {strides = array<i32>} : memref<64x100000xf32, #tpu.memory_space<vmem>>, vector<64x2048xf32>,
    %get3A_103 = arith.constant 0 : index
    %get3A_104 = arith.constant 16384 : index
    %get3A_105 = vector.load %arg2[%get3A_103, %get3A_104] : memref<32x100000xf32, #tpu.memory_space<vmem>>, vector<32x2048xf32>
    %dot_general3A_106 = arith.constant dense<0.000000e+00> : vector<64x2048xf32>
    %dot_general3A_107 = tpu.matmul %get3A_1, %get3A_105, %dot_general3A_106 {dimension_numbers = #tpu.dot_dimension_numbers<[1], [0], [0], [1], [0, 0, 1, 1], [], []>, transpose_lhs_hint = false} : vector<64x32xf32>, vector<32x2048xf32>, vector<64x2048xf32> -> vector<64x2048xf32>
    %get3A_108 = arith.constant 0 : index
    %get3A_109 = arith.constant 16384 : index
    %get3A_110 = vector.load %arg3[%get3A_108, %get3A_109] : memref<1x100000xf32, #tpu.memory_space<vmem>>, vector<1x2048xf32>
    %add3A_111 = vector.broadcast %get3A_110 : vector<1x2048xf32> to vector<64x2048xf32>
    %add3A_112 = arith.addf %dot_general3A_107, %add3A_111 : vector<64x2048xf32>
    %swap3A_113 = arith.constant 0 : index
    %swap3A_114 = arith.constant 16384 : index
    %swap3A_115 = vector.load %arg4[%swap3A_113, %swap3A_114] : memref<64x100000xf32, #tpu.memory_space<vmem>>, vector<64x2048xf32>
    tpu.vector_store %arg4[%swap3A_113, %swap3A_114], %add3A_112 {strides = array<i32>} : memref<64x100000xf32, #tpu.memory_space<vmem>>, vector<64x2048xf32>,
    %get3A_116 = arith.constant 0 : index
    %get3A_117 = arith.constant 18432 : index
    %get3A_118 = vector.load %arg2[%get3A_116, %get3A_117] : memref<32x100000xf32, #tpu.memory_space<vmem>>, vector<32x2048xf32>
    %dot_general3A_119 = arith.constant dense<0.000000e+00> : vector<64x2048xf32>
    %dot_general3A_120 = tpu.matmul %get3A_1, %get3A_118, %dot_general3A_119 {dimension_numbers = #tpu.dot_dimension_numbers<[1], [0], [0], [1], [0, 0, 1, 1], [], []>, transpose_lhs_hint = false} : vector<64x32xf32>, vector<32x2048xf32>, vector<64x2048xf32> -> vector<64x2048xf32>
    %get3A_121 = arith.constant 0 : index
    %get3A_122 = arith.constant 18432 : index
    %get3A_123 = vector.load %arg3[%get3A_121, %get3A_122] : memref<1x100000xf32, #tpu.memory_space<vmem>>, vector<1x2048xf32>
    %add3A_124 = vector.broadcast %get3A_123 : vector<1x2048xf32> to vector<64x2048xf32>
    %add3A_125 = arith.addf %dot_general3A_120, %add3A_124 : vector<64x2048xf32>
    %swap3A_126 = arith.constant 0 : index
    %swap3A_127 = arith.constant 18432 : index
    %swap3A_128 = vector.load %arg4[%swap3A_126, %swap3A_127] : memref<64x100000xf32, #tpu.memory_space<vmem>>, vector<64x2048xf32>
    tpu.vector_store %arg4[%swap3A_126, %swap3A_127], %add3A_125 {strides = array<i32>} : memref<64x100000xf32, #tpu.memory_space<vmem>>, vector<64x2048xf32>,
    %get3A_129 = arith.constant 0 : index
    %get3A_130 = arith.constant 20480 : index
    %get3A_131 = vector.load %arg2[%get3A_129, %get3A_130] : memref<32x100000xf32, #tpu.memory_space<vmem>>, vector<32x2048xf32>
    %dot_general3A_132 = arith.constant dense<0.000000e+00> : vector<64x2048xf32>
    %dot_general3A_133 = tpu.matmul %get3A_1, %get3A_131, %dot_general3A_132 {dimension_numbers = #tpu.dot_dimension_numbers<[1], [0], [0], [1], [0, 0, 1, 1], [], []>, transpose_lhs_hint = false} : vector<64x32xf32>, vector<32x2048xf32>, vector<64x2048xf32> -> vector<64x2048xf32>
    %get3A_134 = arith.constant 0 : index
    %get3A_135 = arith.constant 20480 : index
    %get3A_136 = vector.load %arg3[%get3A_134, %get3A_135] : memref<1x100000xf32, #tpu.memory_space<vmem>>, vector<1x2048xf32>
    %add3A_137 = vector.broadcast %get3A_136 : vector<1x2048xf32> to vector<64x2048xf32>
    %add3A_138 = arith.addf %dot_general3A_133, %add3A_137 : vector<64x2048xf32>
    %swap3A_139 = arith.constant 0 : index
    %swap3A_140 = arith.constant 20480 : index
    %swap3A_141 = vector.load %arg4[%swap3A_139, %swap3A_140] : memref<64x100000xf32, #tpu.memory_space<vmem>>, vector<64x2048xf32>
    tpu.vector_store %arg4[%swap3A_139, %swap3A_140], %add3A_138 {strides = array<i32>} : memref<64x100000xf32, #tpu.memory_space<vmem>>, vector<64x2048xf32>,
    %get3A_142 = arith.constant 0 : index
    %get3A_143 = arith.constant 22528 : index
    %get3A_144 = vector.load %arg2[%get3A_142, %get3A_143] : memref<32x100000xf32, #tpu.memory_space<vmem>>, vector<32x2048xf32>
    %dot_general3A_145 = arith.constant dense<0.000000e+00> : vector<64x2048xf32>
    %dot_general3A_146 = tpu.matmul %get3A_1, %get3A_144, %dot_general3A_145 {dimension_numbers = #tpu.dot_dimension_numbers<[1], [0], [0], [1], [0, 0, 1, 1], [], []>, transpose_lhs_hint = false} : vector<64x32xf32>, vector<32x2048xf32>, vector<64x2048xf32> -> vector<64x2048xf32>
    %get3A_147 = arith.constant 0 : index
    %get3A_148 = arith.constant 22528 : index
    %get3A_149 = vector.load %arg3[%get3A_147, %get3A_148] : memref<1x100000xf32, #tpu.memory_space<vmem>>, vector<1x2048xf32>
    %add3A_150 = vector.broadcast %get3A_149 : vector<1x2048xf32> to vector<64x2048xf32>
    %add3A_151 = arith.addf %dot_general3A_146, %add3A_150 : vector<64x2048xf32>
    %swap3A_152 = arith.constant 0 : index
    %swap3A_153 = arith.constant 22528 : index
    %swap3A_154 = vector.load %arg4[%swap3A_152, %swap3A_153] : memref<64x100000xf32, #tpu.memory_space<vmem>>, vector<64x2048xf32>
    tpu.vector_store %arg4[%swap3A_152, %swap3A_153], %add3A_151 {strides = array<i32>} : memref<64x100000xf32, #tpu.memory_space<vmem>>, vector<64x2048xf32>,
    %get3A_155 = arith.constant 0 : index
    %get3A_156 = arith.constant 24576 : index
    %get3A_157 = vector.load %arg2[%get3A_155, %get3A_156] : memref<32x100000xf32, #tpu.memory_space<vmem>>, vector<32x2048xf32>
    %dot_general3A_158 = arith.constant dense<0.000000e+00> : vector<64x2048xf32>
    %dot_general3A_159 = tpu.matmul %get3A_1, %get3A_157, %dot_general3A_158 {dimension_numbers = #tpu.dot_dimension_numbers<[1], [0], [0], [1], [0, 0, 1, 1], [], []>, transpose_lhs_hint = false} : vector<64x32xf32>, vector<32x2048xf32>, vector<64x2048xf32> -> vector<64x2048xf32>
    %get3A_160 = arith.constant 0 : index
    %get3A_161 = arith.constant 24576 : index
    %get3A_162 = vector.load %arg3[%get3A_160, %get3A_161] : memref<1x100000xf32, #tpu.memory_space<vmem>>, vector<1x2048xf32>
    %add3A_163 = vector.broadcast %get3A_162 : vector<1x2048xf32> to vector<64x2048xf32>
    %add3A_164 = arith.addf %dot_general3A_159, %add3A_163 : vector<64x2048xf32>
    %swap3A_165 = arith.constant 0 : index
    %swap3A_166 = arith.constant 24576 : index
    %swap3A_167 = vector.load %arg4[%swap3A_165, %swap3A_166] : memref<64x100000xf32, #tpu.memory_space<vmem>>, vector<64x2048xf32>
    tpu.vector_store %arg4[%swap3A_165, %swap3A_166], %add3A_164 {strides = array<i32>} : memref<64x100000xf32, #tpu.memory_space<vmem>>, vector<64x2048xf32>,
    %get3A_168 = arith.constant 0 : index
    %get3A_169 = arith.constant 26624 : index
    %get3A_170 = vector.load %arg2[%get3A_168, %get3A_169] : memref<32x100000xf32, #tpu.memory_space<vmem>>, vector<32x2048xf32>
    %dot_general3A_171 = arith.constant dense<0.000000e+00> : vector<64x2048xf32>
    %dot_general3A_172 = tpu.matmul %get3A_1, %get3A_170, %dot_general3A_171 {dimension_numbers = #tpu.dot_dimension_numbers<[1], [0], [0], [1], [0, 0, 1, 1], [], []>, transpose_lhs_hint = false} : vector<64x32xf32>, vector<32x2048xf32>, vector<64x2048xf32> -> vector<64x2048xf32>
    %get3A_173 = arith.constant 0 : index
    %get3A_174 = arith.constant 26624 : index
    %get3A_175 = vector.load %arg3[%get3A_173, %get3A_174] : memref<1x100000xf32, #tpu.memory_space<vmem>>, vector<1x2048xf32>
    %add3A_176 = vector.broadcast %get3A_175 : vector<1x2048xf32> to vector<64x2048xf32>
    %add3A_177 = arith.addf %dot_general3A_172, %add3A_176 : vector<64x2048xf32>
    %swap3A_178 = arith.constant 0 : index
    %swap3A_179 = arith.constant 26624 : index
    %swap3A_180 = vector.load %arg4[%swap3A_178, %swap3A_179] : memref<64x100000xf32, #tpu.memory_space<vmem>>, vector<64x2048xf32>
    tpu.vector_store %arg4[%swap3A_178, %swap3A_179], %add3A_177 {strides = array<i32>} : memref<64x100000xf32, #tpu.memory_space<vmem>>, vector<64x2048xf32>,
    %get3A_181 = arith.constant 0 : index
    %get3A_182 = arith.constant 28672 : index
    %get3A_183 = vector.load %arg2[%get3A_181, %get3A_182] : memref<32x100000xf32, #tpu.memory_space<vmem>>, vector<32x2048xf32>
    %dot_general3A_184 = arith.constant dense<0.000000e+00> : vector<64x2048xf32>
    %dot_general3A_185 = tpu.matmul %get3A_1, %get3A_183, %dot_general3A_184 {dimension_numbers = #tpu.dot_dimension_numbers<[1], [0], [0], [1], [0, 0, 1, 1], [], []>, transpose_lhs_hint = false} : vector<64x32xf32>, vector<32x2048xf32>, vector<64x2048xf32> -> vector<64x2048xf32>
    %get3A_186 = arith.constant 0 : index
    %get3A_187 = arith.constant 28672 : index
    %get3A_188 = vector.load %arg3[%get3A_186, %get3A_187] : memref<1x100000xf32, #tpu.memory_space<vmem>>, vector<1x2048xf32>
    %add3A_189 = vector.broadcast %get3A_188 : vector<1x2048xf32> to vector<64x2048xf32>
    %add3A_190 = arith.addf %dot_general3A_185, %add3A_189 : vector<64x2048xf32>
    %swap3A_191 = arith.constant 0 : index
    %swap3A_192 = arith.constant 28672 : index
    %swap3A_193 = vector.load %arg4[%swap3A_191, %swap3A_192] : memref<64x100000xf32, #tpu.memory_space<vmem>>, vector<64x2048xf32>
    tpu.vector_store %arg4[%swap3A_191, %swap3A_192], %add3A_190 {strides = array<i32>} : memref<64x100000xf32, #tpu.memory_space<vmem>>, vector<64x2048xf32>,
    %get3A_194 = arith.constant 0 : index
    %get3A_195 = arith.constant 30720 : index
    %get3A_196 = vector.load %arg2[%get3A_194, %get3A_195] : memref<32x100000xf32, #tpu.memory_space<vmem>>, vector<32x2048xf32>
    %dot_general3A_197 = arith.constant dense<0.000000e+00> : vector<64x2048xf32>
    %dot_general3A_198 = tpu.matmul %get3A_1, %get3A_196, %dot_general3A_197 {dimension_numbers = #tpu.dot_dimension_numbers<[1], [0], [0], [1], [0, 0, 1, 1], [], []>, transpose_lhs_hint = false} : vector<64x32xf32>, vector<32x2048xf32>, vector<64x2048xf32> -> vector<64x2048xf32>
    %get3A_199 = arith.constant 0 : index
    %get3A_200 = arith.constant 30720 : index
    %get3A_201 = vector.load %arg3[%get3A_199, %get3A_200] : memref<1x100000xf32, #tpu.memory_space<vmem>>, vector<1x2048xf32>
    %add3A_202 = vector.broadcast %get3A_201 : vector<1x2048xf32> to vector<64x2048xf32>
    %add3A_203 = arith.addf %dot_general3A_198, %add3A_202 : vector<64x2048xf32>
    %swap3A_204 = arith.constant 0 : index
    %swap3A_205 = arith.constant 30720 : index
    %swap3A_206 = vector.load %arg4[%swap3A_204, %swap3A_205] : memref<64x100000xf32, #tpu.memory_space<vmem>>, vector<64x2048xf32>
    tpu.vector_store %arg4[%swap3A_204, %swap3A_205], %add3A_203 {strides = array<i32>} : memref<64x100000xf32, #tpu.memory_space<vmem>>, vector<64x2048xf32>,
    %get3A_207 = arith.constant 0 : index
    %get3A_208 = arith.constant 32768 : index
    %get3A_209 = vector.load %arg2[%get3A_207, %get3A_208] : memref<32x100000xf32, #tpu.memory_space<vmem>>, vector<32x2048xf32>
    %dot_general3A_210 = arith.constant dense<0.000000e+00> : vector<64x2048xf32>
    %dot_general3A_211 = tpu.matmul %get3A_1, %get3A_209, %dot_general3A_210 {dimension_numbers = #tpu.dot_dimension_numbers<[1], [0], [0], [1], [0, 0, 1, 1], [], []>, transpose_lhs_hint = false} : vector<64x32xf32>, vector<32x2048xf32>, vector<64x2048xf32> -> vector<64x2048xf32>
    %get3A_212 = arith.constant 0 : index
    %get3A_213 = arith.constant 32768 : index
    %get3A_214 = vector.load %arg3[%get3A_212, %get3A_213] : memref<1x100000xf32, #tpu.memory_space<vmem>>, vector<1x2048xf32>
    %add3A_215 = vector.broadcast %get3A_214 : vector<1x2048xf32> to vector<64x2048xf32>
    %add3A_216 = arith.addf %dot_general3A_211, %add3A_215 : vector<64x2048xf32>
    %swap3A_217 = arith.constant 0 : index
    %swap3A_218 = arith.constant 32768 : index
    %swap3A_219 = vector.load %arg4[%swap3A_217, %swap3A_218] : memref<64x100000xf32, #tpu.memory_space<vmem>>, vector<64x2048xf32>
    tpu.vector_store %arg4[%swap3A_217, %swap3A_218], %add3A_216 {strides = array<i32>} : memref<64x100000xf32, #tpu.memory_space<vmem>>, vector<64x2048xf32>,
    %get3A_220 = arith.constant 0 : index
    %get3A_221 = arith.constant 34816 : index
    %get3A_222 = vector.load %arg2[%get3A_220, %get3A_221] : memref<32x100000xf32, #tpu.memory_space<vmem>>, vector<32x2048xf32>
    %dot_general3A_223 = arith.constant dense<0.000000e+00> : vector<64x2048xf32>
    %dot_general3A_224 = tpu.matmul %get3A_1, %get3A_222, %dot_general3A_223 {dimension_numbers = #tpu.dot_dimension_numbers<[1], [0], [0], [1], [0, 0, 1, 1], [], []>, transpose_lhs_hint = false} : vector<64x32xf32>, vector<32x2048xf32>, vector<64x2048xf32> -> vector<64x2048xf32>
    %get3A_225 = arith.constant 0 : index
    %get3A_226 = arith.constant 34816 : index
    %get3A_227 = vector.load %arg3[%get3A_225, %get3A_226] : memref<1x100000xf32, #tpu.memory_space<vmem>>, vector<1x2048xf32>
    %add3A_228 = vector.broadcast %get3A_227 : vector<1x2048xf32> to vector<64x2048xf32>
    %add3A_229 = arith.addf %dot_general3A_224, %add3A_228 : vector<64x2048xf32>
    %swap3A_230 = arith.constant 0 : index
    %swap3A_231 = arith.constant 34816 : index
    %swap3A_232 = vector.load %arg4[%swap3A_230, %swap3A_231] : memref<64x100000xf32, #tpu.memory_space<vmem>>, vector<64x2048xf32>
    tpu.vector_store %arg4[%swap3A_230, %swap3A_231], %add3A_229 {strides = array<i32>} : memref<64x100000xf32, #tpu.memory_space<vmem>>, vector<64x2048xf32>,
    %get3A_233 = arith.constant 0 : index
    %get3A_234 = arith.constant 36864 : index
    %get3A_235 = vector.load %arg2[%get3A_233, %get3A_234] : memref<32x100000xf32, #tpu.memory_space<vmem>>, vector<32x2048xf32>
    %dot_general3A_236 = arith.constant dense<0.000000e+00> : vector<64x2048xf32>
    %dot_general3A_237 = tpu.matmul %get3A_1, %get3A_235, %dot_general3A_236 {dimension_numbers = #tpu.dot_dimension_numbers<[1], [0], [0], [1], [0, 0, 1, 1], [], []>, transpose_lhs_hint = false} : vector<64x32xf32>, vector<32x2048xf32>, vector<64x2048xf32> -> vector<64x2048xf32>
    %get3A_238 = arith.constant 0 : index
    %get3A_239 = arith.constant 36864 : index
    %get3A_240 = vector.load %arg3[%get3A_238, %get3A_239] : memref<1x100000xf32, #tpu.memory_space<vmem>>, vector<1x2048xf32>
    %add3A_241 = vector.broadcast %get3A_240 : vector<1x2048xf32> to vector<64x2048xf32>
    %add3A_242 = arith.addf %dot_general3A_237, %add3A_241 : vector<64x2048xf32>
    %swap3A_243 = arith.constant 0 : index
    %swap3A_244 = arith.constant 36864 : index
    %swap3A_245 = vector.load %arg4[%swap3A_243, %swap3A_244] : memref<64x100000xf32, #tpu.memory_space<vmem>>, vector<64x2048xf32>
    tpu.vector_store %arg4[%swap3A_243, %swap3A_244], %add3A_242 {strides = array<i32>} : memref<64x100000xf32, #tpu.memory_space<vmem>>, vector<64x2048xf32>,
    %get3A_246 = arith.constant 0 : index
    %get3A_247 = arith.constant 38912 : index
    %get3A_248 = vector.load %arg2[%get3A_246, %get3A_247] : memref<32x100000xf32, #tpu.memory_space<vmem>>, vector<32x2048xf32>
    %dot_general3A_249 = arith.constant dense<0.000000e+00> : vector<64x2048xf32>
    %dot_general3A_250 = tpu.matmul %get3A_1, %get3A_248, %dot_general3A_249 {dimension_numbers = #tpu.dot_dimension_numbers<[1], [0], [0], [1], [0, 0, 1, 1], [], []>, transpose_lhs_hint = false} : vector<64x32xf32>, vector<32x2048xf32>, vector<64x2048xf32> -> vector<64x2048xf32>
    %get3A_251 = arith.constant 0 : index
    %get3A_252 = arith.constant 38912 : index
    %get3A_253 = vector.load %arg3[%get3A_251, %get3A_252] : memref<1x100000xf32, #tpu.memory_space<vmem>>, vector<1x2048xf32>
    %add3A_254 = vector.broadcast %get3A_253 : vector<1x2048xf32> to vector<64x2048xf32>
    %add3A_255 = arith.addf %dot_general3A_250, %add3A_254 : vector<64x2048xf32>
    %swap3A_256 = arith.constant 0 : index
    %swap3A_257 = arith.constant 38912 : index
    %swap3A_258 = vector.load %arg4[%swap3A_256, %swap3A_257] : memref<64x100000xf32, #tpu.memory_space<vmem>>, vector<64x2048xf32>
    tpu.vector_store %arg4[%swap3A_256, %swap3A_257], %add3A_255 {strides = array<i32>} : memref<64x100000xf32, #tpu.memory_space<vmem>>, vector<64x2048xf32>,
    %get3A_259 = arith.constant 0 : index
    %get3A_260 = arith.constant 40960 : index
    %get3A_261 = vector.load %arg2[%get3A_259, %get3A_260] : memref<32x100000xf32, #tpu.memory_space<vmem>>, vector<32x2048xf32>
    %dot_general3A_262 = arith.constant dense<0.000000e+00> : vector<64x2048xf32>
    %dot_general3A_263 = tpu.matmul %get3A_1, %get3A_261, %dot_general3A_262 {dimension_numbers = #tpu.dot_dimension_numbers<[1], [0], [0], [1], [0, 0, 1, 1], [], []>, transpose_lhs_hint = false} : vector<64x32xf32>, vector<32x2048xf32>, vector<64x2048xf32> -> vector<64x2048xf32>
    %get3A_264 = arith.constant 0 : index
    %get3A_265 = arith.constant 40960 : index
    %get3A_266 = vector.load %arg3[%get3A_264, %get3A_265] : memref<1x100000xf32, #tpu.memory_space<vmem>>, vector<1x2048xf32>
    %add3A_267 = vector.broadcast %get3A_266 : vector<1x2048xf32> to vector<64x2048xf32>
    %add3A_268 = arith.addf %dot_general3A_263, %add3A_267 : vector<64x2048xf32>
    %swap3A_269 = arith.constant 0 : index
    %swap3A_270 = arith.constant 40960 : index
    %swap3A_271 = vector.load %arg4[%swap3A_269, %swap3A_270] : memref<64x100000xf32, #tpu.memory_space<vmem>>, vector<64x2048xf32>
    tpu.vector_store %arg4[%swap3A_269, %swap3A_270], %add3A_268 {strides = array<i32>} : memref<64x100000xf32, #tpu.memory_space<vmem>>, vector<64x2048xf32>,
    %get3A_272 = arith.constant 0 : index
    %get3A_273 = arith.constant 43008 : index
    %get3A_274 = vector.load %arg2[%get3A_272, %get3A_273] : memref<32x100000xf32, #tpu.memory_space<vmem>>, vector<32x2048xf32>
    %dot_general3A_275 = arith.constant dense<0.000000e+00> : vector<64x2048xf32>
    %dot_general3A_276 = tpu.matmul %get3A_1, %get3A_274, %dot_general3A_275 {dimension_numbers = #tpu.dot_dimension_numbers<[1], [0], [0], [1], [0, 0, 1, 1], [], []>, transpose_lhs_hint = false} : vector<64x32xf32>, vector<32x2048xf32>, vector<64x2048xf32> -> vector<64x2048xf32>
    %get3A_277 = arith.constant 0 : index
    %get3A_278 = arith.constant 43008 : index
    %get3A_279 = vector.load %arg3[%get3A_277, %get3A_278] : memref<1x100000xf32, #tpu.memory_space<vmem>>, vector<1x2048xf32>
    %add3A_280 = vector.broadcast %get3A_279 : vector<1x2048xf32> to vector<64x2048xf32>
    %add3A_281 = arith.addf %dot_general3A_276, %add3A_280 : vector<64x2048xf32>
    %swap3A_282 = arith.constant 0 : index
    %swap3A_283 = arith.constant 43008 : index
    %swap3A_284 = vector.load %arg4[%swap3A_282, %swap3A_283] : memref<64x100000xf32, #tpu.memory_space<vmem>>, vector<64x2048xf32>
    tpu.vector_store %arg4[%swap3A_282, %swap3A_283], %add3A_281 {strides = array<i32>} : memref<64x100000xf32, #tpu.memory_space<vmem>>, vector<64x2048xf32>,
    %get3A_285 = arith.constant 0 : index
    %get3A_286 = arith.constant 45056 : index
    %get3A_287 = vector.load %arg2[%get3A_285, %get3A_286] : memref<32x100000xf32, #tpu.memory_space<vmem>>, vector<32x2048xf32>
    %dot_general3A_288 = arith.constant dense<0.000000e+00> : vector<64x2048xf32>
    %dot_general3A_289 = tpu.matmul %get3A_1, %get3A_287, %dot_general3A_288 {dimension_numbers = #tpu.dot_dimension_numbers<[1], [0], [0], [1], [0, 0, 1, 1], [], []>, transpose_lhs_hint = false} : vector<64x32xf32>, vector<32x2048xf32>, vector<64x2048xf32> -> vector<64x2048xf32>
    %get3A_290 = arith.constant 0 : index
    %get3A_291 = arith.constant 45056 : index
    %get3A_292 = vector.load %arg3[%get3A_290, %get3A_291] : memref<1x100000xf32, #tpu.memory_space<vmem>>, vector<1x2048xf32>
    %add3A_293 = vector.broadcast %get3A_292 : vector<1x2048xf32> to vector<64x2048xf32>
    %add3A_294 = arith.addf %dot_general3A_289, %add3A_293 : vector<64x2048xf32>
    %swap3A_295 = arith.constant 0 : index
    %swap3A_296 = arith.constant 45056 : index
    %swap3A_297 = vector.load %arg4[%swap3A_295, %swap3A_296] : memref<64x100000xf32, #tpu.memory_space<vmem>>, vector<64x2048xf32>
    tpu.vector_store %arg4[%swap3A_295, %swap3A_296], %add3A_294 {strides = array<i32>} : memref<64x100000xf32, #tpu.memory_space<vmem>>, vector<64x2048xf32>,
    %get3A_298 = arith.constant 0 : index
    %get3A_299 = arith.constant 47104 : index
    %get3A_300 = vector.load %arg2[%get3A_298, %get3A_299] : memref<32x100000xf32, #tpu.memory_space<vmem>>, vector<32x2048xf32>
    %dot_general3A_301 = arith.constant dense<0.000000e+00> : vector<64x2048xf32>
    %dot_general3A_302 = tpu.matmul %get3A_1, %get3A_300, %dot_general3A_301 {dimension_numbers = #tpu.dot_dimension_numbers<[1], [0], [0], [1], [0, 0, 1, 1], [], []>, transpose_lhs_hint = false} : vector<64x32xf32>, vector<32x2048xf32>, vector<64x2048xf32> -> vector<64x2048xf32>
    %get3A_303 = arith.constant 0 : index
    %get3A_304 = arith.constant 47104 : index
    %get3A_305 = vector.load %arg3[%get3A_303, %get3A_304] : memref<1x100000xf32, #tpu.memory_space<vmem>>, vector<1x2048xf32>
    %add3A_306 = vector.broadcast %get3A_305 : vector<1x2048xf32> to vector<64x2048xf32>
    %add3A_307 = arith.addf %dot_general3A_302, %add3A_306 : vector<64x2048xf32>
    %swap3A_308 = arith.constant 0 : index
    %swap3A_309 = arith.constant 47104 : index
    %swap3A_310 = vector.load %arg4[%swap3A_308, %swap3A_309] : memref<64x100000xf32, #tpu.memory_space<vmem>>, vector<64x2048xf32>
    tpu.vector_store %arg4[%swap3A_308, %swap3A_309], %add3A_307 {strides = array<i32>} : memref<64x100000xf32, #tpu.memory_space<vmem>>, vector<64x2048xf32>,
    %get3A_311 = arith.constant 0 : index
    %get3A_312 = arith.constant 49152 : index
    %get3A_313 = vector.load %arg2[%get3A_311, %get3A_312] : memref<32x100000xf32, #tpu.memory_space<vmem>>, vector<32x2048xf32>
    %dot_general3A_314 = arith.constant dense<0.000000e+00> : vector<64x2048xf32>
    %dot_general3A_315 = tpu.matmul %get3A_1, %get3A_313, %dot_general3A_314 {dimension_numbers = #tpu.dot_dimension_numbers<[1], [0], [0], [1], [0, 0, 1, 1], [], []>, transpose_lhs_hint = false} : vector<64x32xf32>, vector<32x2048xf32>, vector<64x2048xf32> -> vector<64x2048xf32>
    %get3A_316 = arith.constant 0 : index
    %get3A_317 = arith.constant 49152 : index
    %get3A_318 = vector.load %arg3[%get3A_316, %get3A_317] : memref<1x100000xf32, #tpu.memory_space<vmem>>, vector<1x2048xf32>
    %add3A_319 = vector.broadcast %get3A_318 : vector<1x2048xf32> to vector<64x2048xf32>
    %add3A_320 = arith.addf %dot_general3A_315, %add3A_319 : vector<64x2048xf32>
    %swap3A_321 = arith.constant 0 : index
    %swap3A_322 = arith.constant 49152 : index
    %swap3A_323 = vector.load %arg4[%swap3A_321, %swap3A_322] : memref<64x100000xf32, #tpu.memory_space<vmem>>, vector<64x2048xf32>
    tpu.vector_store %arg4[%swap3A_321, %swap3A_322], %add3A_320 {strides = array<i32>} : memref<64x100000xf32, #tpu.memory_space<vmem>>, vector<64x2048xf32>,
    %get3A_324 = arith.constant 0 : index
    %get3A_325 = arith.constant 51200 : index
    %get3A_326 = vector.load %arg2[%get3A_324, %get3A_325] : memref<32x100000xf32, #tpu.memory_space<vmem>>, vector<32x2048xf32>
    %dot_general3A_327 = arith.constant dense<0.000000e+00> : vector<64x2048xf32>
    %dot_general3A_328 = tpu.matmul %get3A_1, %get3A_326, %dot_general3A_327 {dimension_numbers = #tpu.dot_dimension_numbers<[1], [0], [0], [1], [0, 0, 1, 1], [], []>, transpose_lhs_hint = false} : vector<64x32xf32>, vector<32x2048xf32>, vector<64x2048xf32> -> vector<64x2048xf32>
    %get3A_329 = arith.constant 0 : index
    %get3A_330 = arith.constant 51200 : index
    %get3A_331 = vector.load %arg3[%get3A_329, %get3A_330] : memref<1x100000xf32, #tpu.memory_space<vmem>>, vector<1x2048xf32>
    %add3A_332 = vector.broadcast %get3A_331 : vector<1x2048xf32> to vector<64x2048xf32>
    %add3A_333 = arith.addf %dot_general3A_328, %add3A_332 : vector<64x2048xf32>
    %swap3A_334 = arith.constant 0 : index
    %swap3A_335 = arith.constant 51200 : index
    %swap3A_336 = vector.load %arg4[%swap3A_334, %swap3A_335] : memref<64x100000xf32, #tpu.memory_space<vmem>>, vector<64x2048xf32>
    tpu.vector_store %arg4[%swap3A_334, %swap3A_335], %add3A_333 {strides = array<i32>} : memref<64x100000xf32, #tpu.memory_space<vmem>>, vector<64x2048xf32>,
    %get3A_337 = arith.constant 0 : index
    %get3A_338 = arith.constant 53248 : index
    %get3A_339 = vector.load %arg2[%get3A_337, %get3A_338] : memref<32x100000xf32, #tpu.memory_space<vmem>>, vector<32x2048xf32>
    %dot_general3A_340 = arith.constant dense<0.000000e+00> : vector<64x2048xf32>
    %dot_general3A_341 = tpu.matmul %get3A_1, %get3A_339, %dot_general3A_340 {dimension_numbers = #tpu.dot_dimension_numbers<[1], [0], [0], [1], [0, 0, 1, 1], [], []>, transpose_lhs_hint = false} : vector<64x32xf32>, vector<32x2048xf32>, vector<64x2048xf32> -> vector<64x2048xf32>
    %get3A_342 = arith.constant 0 : index
    %get3A_343 = arith.constant 53248 : index
    %get3A_344 = vector.load %arg3[%get3A_342, %get3A_343] : memref<1x100000xf32, #tpu.memory_space<vmem>>, vector<1x2048xf32>
    %add3A_345 = vector.broadcast %get3A_344 : vector<1x2048xf32> to vector<64x2048xf32>
    %add3A_346 = arith.addf %dot_general3A_341, %add3A_345 : vector<64x2048xf32>
    %swap3A_347 = arith.constant 0 : index
    %swap3A_348 = arith.constant 53248 : index
    %swap3A_349 = vector.load %arg4[%swap3A_347, %swap3A_348] : memref<64x100000xf32, #tpu.memory_space<vmem>>, vector<64x2048xf32>
    tpu.vector_store %arg4[%swap3A_347, %swap3A_348], %add3A_346 {strides = array<i32>} : memref<64x100000xf32, #tpu.memory_space<vmem>>, vector<64x2048xf32>,
    %get3A_350 = arith.constant 0 : index
    %get3A_351 = arith.constant 55296 : index
    %get3A_352 = vector.load %arg2[%get3A_350, %get3A_351] : memref<32x100000xf32, #tpu.memory_space<vmem>>, vector<32x2048xf32>
    %dot_general3A_353 = arith.constant dense<0.000000e+00> : vector<64x2048xf32>
    %dot_general3A_354 = tpu.matmul %get3A_1, %get3A_352, %dot_general3A_353 {dimension_numbers = #tpu.dot_dimension_numbers<[1], [0], [0], [1], [0, 0, 1, 1], [], []>, transpose_lhs_hint = false} : vector<64x32xf32>, vector<32x2048xf32>, vector<64x2048xf32> -> vector<64x2048xf32>
    %get3A_355 = arith.constant 0 : index
    %get3A_356 = arith.constant 55296 : index
    %get3A_357 = vector.load %arg3[%get3A_355, %get3A_356] : memref<1x100000xf32, #tpu.memory_space<vmem>>, vector<1x2048xf32>
    %add3A_358 = vector.broadcast %get3A_357 : vector<1x2048xf32> to vector<64x2048xf32>
    %add3A_359 = arith.addf %dot_general3A_354, %add3A_358 : vector<64x2048xf32>
    %swap3A_360 = arith.constant 0 : index
    %swap3A_361 = arith.constant 55296 : index
    %swap3A_362 = vector.load %arg4[%swap3A_360, %swap3A_361] : memref<64x100000xf32, #tpu.memory_space<vmem>>, vector<64x2048xf32>
    tpu.vector_store %arg4[%swap3A_360, %swap3A_361], %add3A_359 {strides = array<i32>} : memref<64x100000xf32, #tpu.memory_space<vmem>>, vector<64x2048xf32>,
    %get3A_363 = arith.constant 0 : index
    %get3A_364 = arith.constant 57344 : index
    %get3A_365 = vector.load %arg2[%get3A_363, %get3A_364] : memref<32x100000xf32, #tpu.memory_space<vmem>>, vector<32x2048xf32>
    %dot_general3A_366 = arith.constant dense<0.000000e+00> : vector<64x2048xf32>
    %dot_general3A_367 = tpu.matmul %get3A_1, %get3A_365, %dot_general3A_366 {dimension_numbers = #tpu.dot_dimension_numbers<[1], [0], [0], [1], [0, 0, 1, 1], [], []>, transpose_lhs_hint = false} : vector<64x32xf32>, vector<32x2048xf32>, vector<64x2048xf32> -> vector<64x2048xf32>
    %get3A_368 = arith.constant 0 : index
    %get3A_369 = arith.constant 57344 : index
    %get3A_370 = vector.load %arg3[%get3A_368, %get3A_369] : memref<1x100000xf32, #tpu.memory_space<vmem>>, vector<1x2048xf32>
    %add3A_371 = vector.broadcast %get3A_370 : vector<1x2048xf32> to vector<64x2048xf32>
    %add3A_372 = arith.addf %dot_general3A_367, %add3A_371 : vector<64x2048xf32>
    %swap3A_373 = arith.constant 0 : index
    %swap3A_374 = arith.constant 57344 : index
    %swap3A_375 = vector.load %arg4[%swap3A_373, %swap3A_374] : memref<64x100000xf32, #tpu.memory_space<vmem>>, vector<64x2048xf32>
    tpu.vector_store %arg4[%swap3A_373, %swap3A_374], %add3A_372 {strides = array<i32>} : memref<64x100000xf32, #tpu.memory_space<vmem>>, vector<64x2048xf32>,
    %get3A_376 = arith.constant 0 : index
    %get3A_377 = arith.constant 59392 : index
    %get3A_378 = vector.load %arg2[%get3A_376, %get3A_377] : memref<32x100000xf32, #tpu.memory_space<vmem>>, vector<32x2048xf32>
    %dot_general3A_379 = arith.constant dense<0.000000e+00> : vector<64x2048xf32>
    %dot_general3A_380 = tpu.matmul %get3A_1, %get3A_378, %dot_general3A_379 {dimension_numbers = #tpu.dot_dimension_numbers<[1], [0], [0], [1], [0, 0, 1, 1], [], []>, transpose_lhs_hint = false} : vector<64x32xf32>, vector<32x2048xf32>, vector<64x2048xf32> -> vector<64x2048xf32>
    %get3A_381 = arith.constant 0 : index
    %get3A_382 = arith.constant 59392 : index
    %get3A_383 = vector.load %arg3[%get3A_381, %get3A_382] : memref<1x100000xf32, #tpu.memory_space<vmem>>, vector<1x2048xf32>
    %add3A_384 = vector.broadcast %get3A_383 : vector<1x2048xf32> to vector<64x2048xf32>
    %add3A_385 = arith.addf %dot_general3A_380, %add3A_384 : vector<64x2048xf32>
    %swap3A_386 = arith.constant 0 : index
    %swap3A_387 = arith.constant 59392 : index
    %swap3A_388 = vector.load %arg4[%swap3A_386, %swap3A_387] : memref<64x100000xf32, #tpu.memory_space<vmem>>, vector<64x2048xf32>
    tpu.vector_store %arg4[%swap3A_386, %swap3A_387], %add3A_385 {strides = array<i32>} : memref<64x100000xf32, #tpu.memory_space<vmem>>, vector<64x2048xf32>,
    %get3A_389 = arith.constant 0 : index
    %get3A_390 = arith.constant 61440 : index
    %get3A_391 = vector.load %arg2[%get3A_389, %get3A_390] : memref<32x100000xf32, #tpu.memory_space<vmem>>, vector<32x2048xf32>
    %dot_general3A_392 = arith.constant dense<0.000000e+00> : vector<64x2048xf32>
    %dot_general3A_393 = tpu.matmul %get3A_1, %get3A_391, %dot_general3A_392 {dimension_numbers = #tpu.dot_dimension_numbers<[1], [0], [0], [1], [0, 0, 1, 1], [], []>, transpose_lhs_hint = false} : vector<64x32xf32>, vector<32x2048xf32>, vector<64x2048xf32> -> vector<64x2048xf32>
    %get3A_394 = arith.constant 0 : index
    %get3A_395 = arith.constant 61440 : index
    %get3A_396 = vector.load %arg3[%get3A_394, %get3A_395] : memref<1x100000xf32, #tpu.memory_space<vmem>>, vector<1x2048xf32>
    %add3A_397 = vector.broadcast %get3A_396 : vector<1x2048xf32> to vector<64x2048xf32>
    %add3A_398 = arith.addf %dot_general3A_393, %add3A_397 : vector<64x2048xf32>
    %swap3A_399 = arith.constant 0 : index
    %swap3A_400 = arith.constant 61440 : index
    %swap3A_401 = vector.load %arg4[%swap3A_399, %swap3A_400] : memref<64x100000xf32, #tpu.memory_space<vmem>>, vector<64x2048xf32>
    tpu.vector_store %arg4[%swap3A_399, %swap3A_400], %add3A_398 {strides = array<i32>} : memref<64x100000xf32, #tpu.memory_space<vmem>>, vector<64x2048xf32>,
    %get3A_402 = arith.constant 0 : index
    %get3A_403 = arith.constant 63488 : index
    %get3A_404 = vector.load %arg2[%get3A_402, %get3A_403] : memref<32x100000xf32, #tpu.memory_space<vmem>>, vector<32x2048xf32>
    %dot_general3A_405 = arith.constant dense<0.000000e+00> : vector<64x2048xf32>
    %dot_general3A_406 = tpu.matmul %get3A_1, %get3A_404, %dot_general3A_405 {dimension_numbers = #tpu.dot_dimension_numbers<[1], [0], [0], [1], [0, 0, 1, 1], [], []>, transpose_lhs_hint = false} : vector<64x32xf32>, vector<32x2048xf32>, vector<64x2048xf32> -> vector<64x2048xf32>
    %get3A_407 = arith.constant 0 : index
    %get3A_408 = arith.constant 63488 : index
    %get3A_409 = vector.load %arg3[%get3A_407, %get3A_408] : memref<1x100000xf32, #tpu.memory_space<vmem>>, vector<1x2048xf32>
    %add3A_410 = vector.broadcast %get3A_409 : vector<1x2048xf32> to vector<64x2048xf32>
    %add3A_411 = arith.addf %dot_general3A_406, %add3A_410 : vector<64x2048xf32>
    %swap3A_412 = arith.constant 0 : index
    %swap3A_413 = arith.constant 63488 : index
    %swap3A_414 = vector.load %arg4[%swap3A_412, %swap3A_413] : memref<64x100000xf32, #tpu.memory_space<vmem>>, vector<64x2048xf32>
    tpu.vector_store %arg4[%swap3A_412, %swap3A_413], %add3A_411 {strides = array<i32>} : memref<64x100000xf32, #tpu.memory_space<vmem>>, vector<64x2048xf32>,
    %get3A_415 = arith.constant 0 : index
    %get3A_416 = arith.constant 65536 : index
    %get3A_417 = vector.load %arg2[%get3A_415, %get3A_416] : memref<32x100000xf32, #tpu.memory_space<vmem>>, vector<32x2048xf32>
    %dot_general3A_418 = arith.constant dense<0.000000e+00> : vector<64x2048xf32>
    %dot_general3A_419 = tpu.matmul %get3A_1, %get3A_417, %dot_general3A_418 {dimension_numbers = #tpu.dot_dimension_numbers<[1], [0], [0], [1], [0, 0, 1, 1], [], []>, transpose_lhs_hint = false} : vector<64x32xf32>, vector<32x2048xf32>, vector<64x2048xf32> -> vector<64x2048xf32>
    %get3A_420 = arith.constant 0 : index
    %get3A_421 = arith.constant 65536 : index
    %get3A_422 = vector.load %arg3[%get3A_420, %get3A_421] : memref<1x100000xf32, #tpu.memory_space<vmem>>, vector<1x2048xf32>
    %add3A_423 = vector.broadcast %get3A_422 : vector<1x2048xf32> to vector<64x2048xf32>
    %add3A_424 = arith.addf %dot_general3A_419, %add3A_423 : vector<64x2048xf32>
    %swap3A_425 = arith.constant 0 : index
    %swap3A_426 = arith.constant 65536 : index
    %swap3A_427 = vector.load %arg4[%swap3A_425, %swap3A_426] : memref<64x100000xf32, #tpu.memory_space<vmem>>, vector<64x2048xf32>
    tpu.vector_store %arg4[%swap3A_425, %swap3A_426], %add3A_424 {strides = array<i32>} : memref<64x100000xf32, #tpu.memory_space<vmem>>, vector<64x2048xf32>,
    %get3A_428 = arith.constant 0 : index
    %get3A_429 = arith.constant 67584 : index
    %get3A_430 = vector.load %arg2[%get3A_428, %get3A_429] : memref<32x100000xf32, #tpu.memory_space<vmem>>, vector<32x2048xf32>
    %dot_general3A_431 = arith.constant dense<0.000000e+00> : vector<64x2048xf32>
    %dot_general3A_432 = tpu.matmul %get3A_1, %get3A_430, %dot_general3A_431 {dimension_numbers = #tpu.dot_dimension_numbers<[1], [0], [0], [1], [0, 0, 1, 1], [], []>, transpose_lhs_hint = false} : vector<64x32xf32>, vector<32x2048xf32>, vector<64x2048xf32> -> vector<64x2048xf32>
    %get3A_433 = arith.constant 0 : index
    %get3A_434 = arith.constant 67584 : index
    %get3A_435 = vector.load %arg3[%get3A_433, %get3A_434] : memref<1x100000xf32, #tpu.memory_space<vmem>>, vector<1x2048xf32>
    %add3A_436 = vector.broadcast %get3A_435 : vector<1x2048xf32> to vector<64x2048xf32>
    %add3A_437 = arith.addf %dot_general3A_432, %add3A_436 : vector<64x2048xf32>
    %swap3A_438 = arith.constant 0 : index
    %swap3A_439 = arith.constant 67584 : index
    %swap3A_440 = vector.load %arg4[%swap3A_438, %swap3A_439] : memref<64x100000xf32, #tpu.memory_space<vmem>>, vector<64x2048xf32>
    tpu.vector_store %arg4[%swap3A_438, %swap3A_439], %add3A_437 {strides = array<i32>} : memref<64x100000xf32, #tpu.memory_space<vmem>>, vector<64x2048xf32>,
    %get3A_441 = arith.constant 0 : index
    %get3A_442 = arith.constant 69632 : index
    %get3A_443 = vector.load %arg2[%get3A_441, %get3A_442] : memref<32x100000xf32, #tpu.memory_space<vmem>>, vector<32x2048xf32>
    %dot_general3A_444 = arith.constant dense<0.000000e+00> : vector<64x2048xf32>
    %dot_general3A_445 = tpu.matmul %get3A_1, %get3A_443, %dot_general3A_444 {dimension_numbers = #tpu.dot_dimension_numbers<[1], [0], [0], [1], [0, 0, 1, 1], [], []>, transpose_lhs_hint = false} : vector<64x32xf32>, vector<32x2048xf32>, vector<64x2048xf32> -> vector<64x2048xf32>
    %get3A_446 = arith.constant 0 : index
    %get3A_447 = arith.constant 69632 : index
    %get3A_448 = vector.load %arg3[%get3A_446, %get3A_447] : memref<1x100000xf32, #tpu.memory_space<vmem>>, vector<1x2048xf32>
    %add3A_449 = vector.broadcast %get3A_448 : vector<1x2048xf32> to vector<64x2048xf32>
    %add3A_450 = arith.addf %dot_general3A_445, %add3A_449 : vector<64x2048xf32>
    %swap3A_451 = arith.constant 0 : index
    %swap3A_452 = arith.constant 69632 : index
    %swap3A_453 = vector.load %arg4[%swap3A_451, %swap3A_452] : memref<64x100000xf32, #tpu.memory_space<vmem>>, vector<64x2048xf32>
    tpu.vector_store %arg4[%swap3A_451, %swap3A_452], %add3A_450 {strides = array<i32>} : memref<64x100000xf32, #tpu.memory_space<vmem>>, vector<64x2048xf32>,
    %get3A_454 = arith.constant 0 : index
    %get3A_455 = arith.constant 71680 : index
    %get3A_456 = vector.load %arg2[%get3A_454, %get3A_455] : memref<32x100000xf32, #tpu.memory_space<vmem>>, vector<32x2048xf32>
    %dot_general3A_457 = arith.constant dense<0.000000e+00> : vector<64x2048xf32>
    %dot_general3A_458 = tpu.matmul %get3A_1, %get3A_456, %dot_general3A_457 {dimension_numbers = #tpu.dot_dimension_numbers<[1], [0], [0], [1], [0, 0, 1, 1], [], []>, transpose_lhs_hint = false} : vector<64x32xf32>, vector<32x2048xf32>, vector<64x2048xf32> -> vector<64x2048xf32>
    %get3A_459 = arith.constant 0 : index
    %get3A_460 = arith.constant 71680 : index
    %get3A_461 = vector.load %arg3[%get3A_459, %get3A_460] : memref<1x100000xf32, #tpu.memory_space<vmem>>, vector<1x2048xf32>
    %add3A_462 = vector.broadcast %get3A_461 : vector<1x2048xf32> to vector<64x2048xf32>
    %add3A_463 = arith.addf %dot_general3A_458, %add3A_462 : vector<64x2048xf32>
    %swap3A_464 = arith.constant 0 : index
    %swap3A_465 = arith.constant 71680 : index
    %swap3A_466 = vector.load %arg4[%swap3A_464, %swap3A_465] : memref<64x100000xf32, #tpu.memory_space<vmem>>, vector<64x2048xf32>
    tpu.vector_store %arg4[%swap3A_464, %swap3A_465], %add3A_463 {strides = array<i32>} : memref<64x100000xf32, #tpu.memory_space<vmem>>, vector<64x2048xf32>,
    %get3A_467 = arith.constant 0 : index
    %get3A_468 = arith.constant 73728 : index
    %get3A_469 = vector.load %arg2[%get3A_467, %get3A_468] : memref<32x100000xf32, #tpu.memory_space<vmem>>, vector<32x2048xf32>
    %dot_general3A_470 = arith.constant dense<0.000000e+00> : vector<64x2048xf32>
    %dot_general3A_471 = tpu.matmul %get3A_1, %get3A_469, %dot_general3A_470 {dimension_numbers = #tpu.dot_dimension_numbers<[1], [0], [0], [1], [0, 0, 1, 1], [], []>, transpose_lhs_hint = false} : vector<64x32xf32>, vector<32x2048xf32>, vector<64x2048xf32> -> vector<64x2048xf32>
    %get3A_472 = arith.constant 0 : index
    %get3A_473 = arith.constant 73728 : index
    %get3A_474 = vector.load %arg3[%get3A_472, %get3A_473] : memref<1x100000xf32, #tpu.memory_space<vmem>>, vector<1x2048xf32>
    %add3A_475 = vector.broadcast %get3A_474 : vector<1x2048xf32> to vector<64x2048xf32>
    %add3A_476 = arith.addf %dot_general3A_471, %add3A_475 : vector<64x2048xf32>
    %swap3A_477 = arith.constant 0 : index
    %swap3A_478 = arith.constant 73728 : index
    %swap3A_479 = vector.load %arg4[%swap3A_477, %swap3A_478] : memref<64x100000xf32, #tpu.memory_space<vmem>>, vector<64x2048xf32>
    tpu.vector_store %arg4[%swap3A_477, %swap3A_478], %add3A_476 {strides = array<i32>} : memref<64x100000xf32, #tpu.memory_space<vmem>>, vector<64x2048xf32>,
    %get3A_480 = arith.constant 0 : index
    %get3A_481 = arith.constant 75776 : index
    %get3A_482 = vector.load %arg2[%get3A_480, %get3A_481] : memref<32x100000xf32, #tpu.memory_space<vmem>>, vector<32x2048xf32>
    %dot_general3A_483 = arith.constant dense<0.000000e+00> : vector<64x2048xf32>
    %dot_general3A_484 = tpu.matmul %get3A_1, %get3A_482, %dot_general3A_483 {dimension_numbers = #tpu.dot_dimension_numbers<[1], [0], [0], [1], [0, 0, 1, 1], [], []>, transpose_lhs_hint = false} : vector<64x32xf32>, vector<32x2048xf32>, vector<64x2048xf32> -> vector<64x2048xf32>
    %get3A_485 = arith.constant 0 : index
    %get3A_486 = arith.constant 75776 : index
    %get3A_487 = vector.load %arg3[%get3A_485, %get3A_486] : memref<1x100000xf32, #tpu.memory_space<vmem>>, vector<1x2048xf32>
    %add3A_488 = vector.broadcast %get3A_487 : vector<1x2048xf32> to vector<64x2048xf32>
    %add3A_489 = arith.addf %dot_general3A_484, %add3A_488 : vector<64x2048xf32>
    %swap3A_490 = arith.constant 0 : index
    %swap3A_491 = arith.constant 75776 : index
    %swap3A_492 = vector.load %arg4[%swap3A_490, %swap3A_491] : memref<64x100000xf32, #tpu.memory_space<vmem>>, vector<64x2048xf32>
    tpu.vector_store %arg4[%swap3A_490, %swap3A_491], %add3A_489 {strides = array<i32>} : memref<64x100000xf32, #tpu.memory_space<vmem>>, vector<64x2048xf32>,
    %get3A_493 = arith.constant 0 : index
    %get3A_494 = arith.constant 77824 : index
    %get3A_495 = vector.load %arg2[%get3A_493, %get3A_494] : memref<32x100000xf32, #tpu.memory_space<vmem>>, vector<32x2048xf32>
    %dot_general3A_496 = arith.constant dense<0.000000e+00> : vector<64x2048xf32>
    %dot_general3A_497 = tpu.matmul %get3A_1, %get3A_495, %dot_general3A_496 {dimension_numbers = #tpu.dot_dimension_numbers<[1], [0], [0], [1], [0, 0, 1, 1], [], []>, transpose_lhs_hint = false} : vector<64x32xf32>, vector<32x2048xf32>, vector<64x2048xf32> -> vector<64x2048xf32>
    %get3A_498 = arith.constant 0 : index
    %get3A_499 = arith.constant 77824 : index
    %get3A_500 = vector.load %arg3[%get3A_498, %get3A_499] : memref<1x100000xf32, #tpu.memory_space<vmem>>, vector<1x2048xf32>
    %add3A_501 = vector.broadcast %get3A_500 : vector<1x2048xf32> to vector<64x2048xf32>
    %add3A_502 = arith.addf %dot_general3A_497, %add3A_501 : vector<64x2048xf32>
    %swap3A_503 = arith.constant 0 : index
    %swap3A_504 = arith.constant 77824 : index
    %swap3A_505 = vector.load %arg4[%swap3A_503, %swap3A_504] : memref<64x100000xf32, #tpu.memory_space<vmem>>, vector<64x2048xf32>
    tpu.vector_store %arg4[%swap3A_503, %swap3A_504], %add3A_502 {strides = array<i32>} : memref<64x100000xf32, #tpu.memory_space<vmem>>, vector<64x2048xf32>,
    %get3A_506 = arith.constant 0 : index
    %get3A_507 = arith.constant 79872 : index
    %get3A_508 = vector.load %arg2[%get3A_506, %get3A_507] : memref<32x100000xf32, #tpu.memory_space<vmem>>, vector<32x2048xf32>
    %dot_general3A_509 = arith.constant dense<0.000000e+00> : vector<64x2048xf32>
    %dot_general3A_510 = tpu.matmul %get3A_1, %get3A_508, %dot_general3A_509 {dimension_numbers = #tpu.dot_dimension_numbers<[1], [0], [0], [1], [0, 0, 1, 1], [], []>, transpose_lhs_hint = false} : vector<64x32xf32>, vector<32x2048xf32>, vector<64x2048xf32> -> vector<64x2048xf32>
    %get3A_511 = arith.constant 0 : index
    %get3A_512 = arith.constant 79872 : index
    %get3A_513 = vector.load %arg3[%get3A_511, %get3A_512] : memref<1x100000xf32, #tpu.memory_space<vmem>>, vector<1x2048xf32>
    %add3A_514 = vector.broadcast %get3A_513 : vector<1x2048xf32> to vector<64x2048xf32>
    %add3A_515 = arith.addf %dot_general3A_510, %add3A_514 : vector<64x2048xf32>
    %swap3A_516 = arith.constant 0 : index
    %swap3A_517 = arith.constant 79872 : index
    %swap3A_518 = vector.load %arg4[%swap3A_516, %swap3A_517] : memref<64x100000xf32, #tpu.memory_space<vmem>>, vector<64x2048xf32>
    tpu.vector_store %arg4[%swap3A_516, %swap3A_517], %add3A_515 {strides = array<i32>} : memref<64x100000xf32, #tpu.memory_space<vmem>>, vector<64x2048xf32>,
    %get3A_519 = arith.constant 0 : index
    %get3A_520 = arith.constant 81920 : index
    %get3A_521 = vector.load %arg2[%get3A_519, %get3A_520] : memref<32x100000xf32, #tpu.memory_space<vmem>>, vector<32x2048xf32>
    %dot_general3A_522 = arith.constant dense<0.000000e+00> : vector<64x2048xf32>
    %dot_general3A_523 = tpu.matmul %get3A_1, %get3A_521, %dot_general3A_522 {dimension_numbers = #tpu.dot_dimension_numbers<[1], [0], [0], [1], [0, 0, 1, 1], [], []>, transpose_lhs_hint = false} : vector<64x32xf32>, vector<32x2048xf32>, vector<64x2048xf32> -> vector<64x2048xf32>
    %get3A_524 = arith.constant 0 : index
    %get3A_525 = arith.constant 81920 : index
    %get3A_526 = vector.load %arg3[%get3A_524, %get3A_525] : memref<1x100000xf32, #tpu.memory_space<vmem>>, vector<1x2048xf32>
    %add3A_527 = vector.broadcast %get3A_526 : vector<1x2048xf32> to vector<64x2048xf32>
    %add3A_528 = arith.addf %dot_general3A_523, %add3A_527 : vector<64x2048xf32>
    %swap3A_529 = arith.constant 0 : index
    %swap3A_530 = arith.constant 81920 : index
    %swap3A_531 = vector.load %arg4[%swap3A_529, %swap3A_530] : memref<64x100000xf32, #tpu.memory_space<vmem>>, vector<64x2048xf32>
    tpu.vector_store %arg4[%swap3A_529, %swap3A_530], %add3A_528 {strides = array<i32>} : memref<64x100000xf32, #tpu.memory_space<vmem>>, vector<64x2048xf32>,
    %get3A_532 = arith.constant 0 : index
    %get3A_533 = arith.constant 83968 : index
    %get3A_534 = vector.load %arg2[%get3A_532, %get3A_533] : memref<32x100000xf32, #tpu.memory_space<vmem>>, vector<32x2048xf32>
    %dot_general3A_535 = arith.constant dense<0.000000e+00> : vector<64x2048xf32>
    %dot_general3A_536 = tpu.matmul %get3A_1, %get3A_534, %dot_general3A_535 {dimension_numbers = #tpu.dot_dimension_numbers<[1], [0], [0], [1], [0, 0, 1, 1], [], []>, transpose_lhs_hint = false} : vector<64x32xf32>, vector<32x2048xf32>, vector<64x2048xf32> -> vector<64x2048xf32>
    %get3A_537 = arith.constant 0 : index
    %get3A_538 = arith.constant 83968 : index
    %get3A_539 = vector.load %arg3[%get3A_537, %get3A_538] : memref<1x100000xf32, #tpu.memory_space<vmem>>, vector<1x2048xf32>
    %add3A_540 = vector.broadcast %get3A_539 : vector<1x2048xf32> to vector<64x2048xf32>
    %add3A_541 = arith.addf %dot_general3A_536, %add3A_540 : vector<64x2048xf32>
    %swap3A_542 = arith.constant 0 : index
    %swap3A_543 = arith.constant 83968 : index
    %swap3A_544 = vector.load %arg4[%swap3A_542, %swap3A_543] : memref<64x100000xf32, #tpu.memory_space<vmem>>, vector<64x2048xf32>
    tpu.vector_store %arg4[%swap3A_542, %swap3A_543], %add3A_541 {strides = array<i32>} : memref<64x100000xf32, #tpu.memory_space<vmem>>, vector<64x2048xf32>,
    %get3A_545 = arith.constant 0 : index
    %get3A_546 = arith.constant 86016 : index
    %get3A_547 = vector.load %arg2[%get3A_545, %get3A_546] : memref<32x100000xf32, #tpu.memory_space<vmem>>, vector<32x2048xf32>
    %dot_general3A_548 = arith.constant dense<0.000000e+00> : vector<64x2048xf32>
    %dot_general3A_549 = tpu.matmul %get3A_1, %get3A_547, %dot_general3A_548 {dimension_numbers = #tpu.dot_dimension_numbers<[1], [0], [0], [1], [0, 0, 1, 1], [], []>, transpose_lhs_hint = false} : vector<64x32xf32>, vector<32x2048xf32>, vector<64x2048xf32> -> vector<64x2048xf32>
    %get3A_550 = arith.constant 0 : index
    %get3A_551 = arith.constant 86016 : index
    %get3A_552 = vector.load %arg3[%get3A_550, %get3A_551] : memref<1x100000xf32, #tpu.memory_space<vmem>>, vector<1x2048xf32>
    %add3A_553 = vector.broadcast %get3A_552 : vector<1x2048xf32> to vector<64x2048xf32>
    %add3A_554 = arith.addf %dot_general3A_549, %add3A_553 : vector<64x2048xf32>
    %swap3A_555 = arith.constant 0 : index
    %swap3A_556 = arith.constant 86016 : index
    %swap3A_557 = vector.load %arg4[%swap3A_555, %swap3A_556] : memref<64x100000xf32, #tpu.memory_space<vmem>>, vector<64x2048xf32>
    tpu.vector_store %arg4[%swap3A_555, %swap3A_556], %add3A_554 {strides = array<i32>} : memref<64x100000xf32, #tpu.memory_space<vmem>>, vector<64x2048xf32>,
    %get3A_558 = arith.constant 0 : index
    %get3A_559 = arith.constant 88064 : index
    %get3A_560 = vector.load %arg2[%get3A_558, %get3A_559] : memref<32x100000xf32, #tpu.memory_space<vmem>>, vector<32x2048xf32>
    %dot_general3A_561 = arith.constant dense<0.000000e+00> : vector<64x2048xf32>
    %dot_general3A_562 = tpu.matmul %get3A_1, %get3A_560, %dot_general3A_561 {dimension_numbers = #tpu.dot_dimension_numbers<[1], [0], [0], [1], [0, 0, 1, 1], [], []>, transpose_lhs_hint = false} : vector<64x32xf32>, vector<32x2048xf32>, vector<64x2048xf32> -> vector<64x2048xf32>
    %get3A_563 = arith.constant 0 : index
    %get3A_564 = arith.constant 88064 : index
    %get3A_565 = vector.load %arg3[%get3A_563, %get3A_564] : memref<1x100000xf32, #tpu.memory_space<vmem>>, vector<1x2048xf32>
    %add3A_566 = vector.broadcast %get3A_565 : vector<1x2048xf32> to vector<64x2048xf32>
    %add3A_567 = arith.addf %dot_general3A_562, %add3A_566 : vector<64x2048xf32>
    %swap3A_568 = arith.constant 0 : index
    %swap3A_569 = arith.constant 88064 : index
    %swap3A_570 = vector.load %arg4[%swap3A_568, %swap3A_569] : memref<64x100000xf32, #tpu.memory_space<vmem>>, vector<64x2048xf32>
    tpu.vector_store %arg4[%swap3A_568, %swap3A_569], %add3A_567 {strides = array<i32>} : memref<64x100000xf32, #tpu.memory_space<vmem>>, vector<64x2048xf32>,
    %get3A_571 = arith.constant 0 : index
    %get3A_572 = arith.constant 90112 : index
    %get3A_573 = vector.load %arg2[%get3A_571, %get3A_572] : memref<32x100000xf32, #tpu.memory_space<vmem>>, vector<32x2048xf32>
    %dot_general3A_574 = arith.constant dense<0.000000e+00> : vector<64x2048xf32>
    %dot_general3A_575 = tpu.matmul %get3A_1, %get3A_573, %dot_general3A_574 {dimension_numbers = #tpu.dot_dimension_numbers<[1], [0], [0], [1], [0, 0, 1, 1], [], []>, transpose_lhs_hint = false} : vector<64x32xf32>, vector<32x2048xf32>, vector<64x2048xf32> -> vector<64x2048xf32>
    %get3A_576 = arith.constant 0 : index
    %get3A_577 = arith.constant 90112 : index
    %get3A_578 = vector.load %arg3[%get3A_576, %get3A_577] : memref<1x100000xf32, #tpu.memory_space<vmem>>, vector<1x2048xf32>
    %add3A_579 = vector.broadcast %get3A_578 : vector<1x2048xf32> to vector<64x2048xf32>
    %add3A_580 = arith.addf %dot_general3A_575, %add3A_579 : vector<64x2048xf32>
    %swap3A_581 = arith.constant 0 : index
    %swap3A_582 = arith.constant 90112 : index
    %swap3A_583 = vector.load %arg4[%swap3A_581, %swap3A_582] : memref<64x100000xf32, #tpu.memory_space<vmem>>, vector<64x2048xf32>
    tpu.vector_store %arg4[%swap3A_581, %swap3A_582], %add3A_580 {strides = array<i32>} : memref<64x100000xf32, #tpu.memory_space<vmem>>, vector<64x2048xf32>,
    %get3A_584 = arith.constant 0 : index
    %get3A_585 = arith.constant 92160 : index
    %get3A_586 = vector.load %arg2[%get3A_584, %get3A_585] : memref<32x100000xf32, #tpu.memory_space<vmem>>, vector<32x2048xf32>
    %dot_general3A_587 = arith.constant dense<0.000000e+00> : vector<64x2048xf32>
    %dot_general3A_588 = tpu.matmul %get3A_1, %get3A_586, %dot_general3A_587 {dimension_numbers = #tpu.dot_dimension_numbers<[1], [0], [0], [1], [0, 0, 1, 1], [], []>, transpose_lhs_hint = false} : vector<64x32xf32>, vector<32x2048xf32>, vector<64x2048xf32> -> vector<64x2048xf32>
    %get3A_589 = arith.constant 0 : index
    %get3A_590 = arith.constant 92160 : index
    %get3A_591 = vector.load %arg3[%get3A_589, %get3A_590] : memref<1x100000xf32, #tpu.memory_space<vmem>>, vector<1x2048xf32>
    %add3A_592 = vector.broadcast %get3A_591 : vector<1x2048xf32> to vector<64x2048xf32>
    %add3A_593 = arith.addf %dot_general3A_588, %add3A_592 : vector<64x2048xf32>
    %swap3A_594 = arith.constant 0 : index
    %swap3A_595 = arith.constant 92160 : index
    %swap3A_596 = vector.load %arg4[%swap3A_594, %swap3A_595] : memref<64x100000xf32, #tpu.memory_space<vmem>>, vector<64x2048xf32>
    tpu.vector_store %arg4[%swap3A_594, %swap3A_595], %add3A_593 {strides = array<i32>} : memref<64x100000xf32, #tpu.memory_space<vmem>>, vector<64x2048xf32>,
    %get3A_597 = arith.constant 0 : index
    %get3A_598 = arith.constant 94208 : index
    %get3A_599 = vector.load %arg2[%get3A_597, %get3A_598] : memref<32x100000xf32, #tpu.memory_space<vmem>>, vector<32x2048xf32>
    %dot_general3A_600 = arith.constant dense<0.000000e+00> : vector<64x2048xf32>
    %dot_general3A_601 = tpu.matmul %get3A_1, %get3A_599, %dot_general3A_600 {dimension_numbers = #tpu.dot_dimension_numbers<[1], [0], [0], [1], [0, 0, 1, 1], [], []>, transpose_lhs_hint = false} : vector<64x32xf32>, vector<32x2048xf32>, vector<64x2048xf32> -> vector<64x2048xf32>
    %get3A_602 = arith.constant 0 : index
    %get3A_603 = arith.constant 94208 : index
    %get3A_604 = vector.load %arg3[%get3A_602, %get3A_603] : memref<1x100000xf32, #tpu.memory_space<vmem>>, vector<1x2048xf32>
    %add3A_605 = vector.broadcast %get3A_604 : vector<1x2048xf32> to vector<64x2048xf32>
    %add3A_606 = arith.addf %dot_general3A_601, %add3A_605 : vector<64x2048xf32>
    %swap3A_607 = arith.constant 0 : index
    %swap3A_608 = arith.constant 94208 : index
    %swap3A_609 = vector.load %arg4[%swap3A_607, %swap3A_608] : memref<64x100000xf32, #tpu.memory_space<vmem>>, vector<64x2048xf32>
    tpu.vector_store %arg4[%swap3A_607, %swap3A_608], %add3A_606 {strides = array<i32>} : memref<64x100000xf32, #tpu.memory_space<vmem>>, vector<64x2048xf32>,
    %get3A_610 = arith.constant 0 : index
    %get3A_611 = arith.constant 96256 : index
    %get3A_612 = vector.load %arg2[%get3A_610, %get3A_611] : memref<32x100000xf32, #tpu.memory_space<vmem>>, vector<32x2048xf32>
    %dot_general3A_613 = arith.constant dense<0.000000e+00> : vector<64x2048xf32>
    %dot_general3A_614 = tpu.matmul %get3A_1, %get3A_612, %dot_general3A_613 {dimension_numbers = #tpu.dot_dimension_numbers<[1], [0], [0], [1], [0, 0, 1, 1], [], []>, transpose_lhs_hint = false} : vector<64x32xf32>, vector<32x2048xf32>, vector<64x2048xf32> -> vector<64x2048xf32>
    %get3A_615 = arith.constant 0 : index
    %get3A_616 = arith.constant 96256 : index
    %get3A_617 = vector.load %arg3[%get3A_615, %get3A_616] : memref<1x100000xf32, #tpu.memory_space<vmem>>, vector<1x2048xf32>
    %add3A_618 = vector.broadcast %get3A_617 : vector<1x2048xf32> to vector<64x2048xf32>
    %add3A_619 = arith.addf %dot_general3A_614, %add3A_618 : vector<64x2048xf32>
    %swap3A_620 = arith.constant 0 : index
    %swap3A_621 = arith.constant 96256 : index
    %swap3A_622 = vector.load %arg4[%swap3A_620, %swap3A_621] : memref<64x100000xf32, #tpu.memory_space<vmem>>, vector<64x2048xf32>
    tpu.vector_store %arg4[%swap3A_620, %swap3A_621], %add3A_619 {strides = array<i32>} : memref<64x100000xf32, #tpu.memory_space<vmem>>, vector<64x2048xf32>,
    %get3A_623 = arith.constant 0 : index
    %get3A_624 = arith.constant 98304 : index
    %get3A_625 = vector.load %arg2[%get3A_623, %get3A_624] : memref<32x100000xf32, #tpu.memory_space<vmem>>, vector<32x1696xf32>
    %dot_general3A_626 = arith.constant dense<0.000000e+00> : vector<64x1696xf32>
    %dot_general3A_627 = tpu.matmul %get3A_1, %get3A_625, %dot_general3A_626 {dimension_numbers = #tpu.dot_dimension_numbers<[1], [0], [0], [1], [0, 0, 1, 1], [], []>, transpose_lhs_hint = false} : vector<64x32xf32>, vector<32x1696xf32>, vector<64x1696xf32> -> vector<64x1696xf32>
    %get3A_628 = arith.constant 0 : index
    %get3A_629 = arith.constant 98304 : index
    %get3A_630 = vector.load %arg3[%get3A_628, %get3A_629] : memref<1x100000xf32, #tpu.memory_space<vmem>>, vector<1x1696xf32>
    %add3A_631 = vector.broadcast %get3A_630 : vector<1x1696xf32> to vector<64x1696xf32>
    %add3A_632 = arith.addf %dot_general3A_627, %add3A_631 : vector<64x1696xf32>
    %swap3A_633 = arith.constant 0 : index
    %swap3A_634 = arith.constant 98304 : index
    %swap3A_635 = vector.load %arg4[%swap3A_633, %swap3A_634] : memref<64x100000xf32, #tpu.memory_space<vmem>>, vector<64x1696xf32>
    tpu.vector_store %arg4[%swap3A_633, %swap3A_634], %add3A_632 {strides = array<i32>} : memref<64x100000xf32, #tpu.memory_space<vmem>>, vector<64x1696xf32>,
    return
  }
  func.func @transform_0(%arg0: i32) -> (i32, i32) {
    %c0_i32 = arith.constant 0 : i32
    %c0_i32_0 = arith.constant 0 : i32
    return %arg0, %c0_i32 : i32, i32
  }
  func.func @transform_1(%arg0: i32) -> (i32, i32) {
    %c0_i32 = arith.constant 0 : i32
    %c0_i32_0 = arith.constant 0 : i32
    %c0_i32_1 = arith.constant 0 : i32
    return %c0_i32, %c0_i32_0 : i32, i32
  }
  func.func @transform_2(%arg0: i32) -> (i32, i32) {
    %c0_i32 = arith.constant 0 : i32
    %c0_i32_0 = arith.constant 0 : i32
    %c0_i32_1 = arith.constant 0 : i32
    return %c0_i32, %c0_i32_0 : i32, i32
  }
  func.func @transform_3(%arg0: i32) -> (i32, i32) {
    %c0_i32 = arith.constant 0 : i32
    %c0_i32_0 = arith.constant 0 : i32
    return %arg0, %c0_i32 : i32, i32
  }
}

</mosaic_0001>

<sc_bundles>
// kernel: kernel.4.cloned.1.call-start
scs
__scs_entry_jumppad:
0x0: {  	(pc) =	sbr.rel $0x88, $3  }
0x1: {  	(tag) =	ssettag $0x0;
	lr =	simm.s32 $0x1  }
0x2: {  	[smem:$0x3F9D] =	sst lr;
	_ =	strace $0xD0000000  }
0x3: {  	_ = 	snop  }
0x4: {  	_ = 	snop  }
0x5: {  	_ = 	snop  }
0x6: {  	_ = 	snop  }
0x7: {  	_ = 	snop  }
__scs_overlays_trampoline_lowered:
0x8: {  	[smem:$0x3FAC] =	sst s0  }
0x9: {  	[smem:$0x3FAD] =	sst s1  }
0xa: {  	[smem:$0x3FAE] =	sst s2  }
0xb: {  	[smem:$0x3FAF] =	sst s3  }
0xc: {  	[smem:$0x3FB0] =	sst s4  }
0xd: {  	[smem:$0x3FB1] =	sst s5  }
0xe: {  	[smem:$0x3FB2] =	sst s6  }
0xf: {  	[smem:$0x3FB3] =	sst s7  }
0x10: {  	[smem:$0x3FB4] =	sst s8  }
0x11: {  	[smem:$0x3FB5] =	sst s9;
	s0 =	simm.s32 @!p0 $0x0  }
0x12: {  	s1 =	sld [smem:$0x3F9B];
	s0 =	simm.s32 @p0 $0x1  }
0x13: {  	[smem:$0x3FB6] =	sst s0;
	s0 =	simm.s32 @!p1 $0x0  }
0x14: {  	s2 =	sld [smem:$0x3F9A];
	s0 =	simm.s32 @p1 $0x1  }
0x15: {  	[smem:$0x3FB7] =	sst s0;
	s0 =	simm.s32 @!p2 $0x0  }
0x16: {  	s3 =	sld [smem:$0x3FDB];
	s0 =	simm.s32 @p2 $0x1  }
0x17: {  	s4 =	simm.s32 $0x1BF5;
	[smem:$0x3FB9] =	sst s0  }
0x18: {  	s0 =	sld [smem:$0x3F9C];
	_ =	swait.ge [sflag:s4], $0x0  }
0x19: {  	s7 =	sld [smem:$0x3F9D]  }
0x1a: {  	s8 =	sadd.s32 $0xFFFFE003, lr  }
0x1b: {  	s9 =	sadd.s32 $0xFFFFFEF7, lr;
	s5 =	simm.s32 $0xFFFFFFFF;
	p2 =	slt.u32 s8, $0xFFFFF086  }
0x1c: {  	p1 =	slt.u32 s9, $0xF7A;
	s5 =	simm.s32 @!p2 $0x0  }
0x1d: {  	s5 =	simm.s32 @p1 $0x1;
	p0 =	seq.s32 s7, s2  }
0x1e: {  	s7 =	smul.u32 @!p0 $0xF7A, s2;
	p2 =	seq.s32 @!p0 s5, $0x0  }
0x1f: {  	s9 =	smul.u32 $0xF7A, s1;
	s8 =	simm.s32 @!p0 $0x1BF5;
	p2 =	por !p2, p0  }
0x20: {  	[sflag:s8] =	ssyncset.s32 @!p0 $0xFFFFF086;
	s6 =	sadd.s32 @!p0 s3, s7;
	s7 =	simm.s32 @!p0 $0x108  }
0x21: {  	s3 =	sadd.s32 s3, s9;
	s6 =	sadd.s32 @!p0 $0x88, s6;
	s7 =	simm.s32 @p2 $0x1082  }
0x22: {  	[simem:s7], [sflag:s8] =	dma.local @!p0 [hbm:s6], $0xF7A  }
0x23: {  	s9 =	sor.u32 $0xD0000000, s2;
	s6 =	simm.s32 $0x108;
	_ =	swait.ge @!p0 [sflag:s8], $0x0  }
0x24: {  	s3 =	sadd.s32 $0x88, s3;
	s6 =	simm.s32 @!p1 $0x1082;
	[sflag:s4] =	ssyncset.s32 $0xFFFFF086  }
0x25: {  	[simem:s6], [sflag:s4] =	dma.local [hbm:s3], $0xF7A  }
0x26: {  	[smem:$0x3F9D] =	sst s1;
	(tag) =	ssettag s2;
	_ =	strace s9  }
0x27: {  	s1 =	sld [smem:$0x3FAD]  }
0x28: {  	s2 =	sld [smem:$0x3FAE]  }
0x29: {  	s4 =	sld [smem:$0x3FB0]  }
0x2a: {  	p0 =	seq.s32 s5, $0x0;
	s5 =	sld [smem:$0x3FB1]  }
0x2b: {  	s6 =	sld [smem:$0x3FB2]  }
0x2c: {  	s7 =	sld [smem:$0x3FB3]  }
0x2d: {  	s3 =	simm.s32 $0x108;
	s8 =	sld [smem:$0x3FB4]  }
0x2e: {  	s3 =	simm.s32 @!p0 $0x1082;
	s9 =	sld [smem:$0x3FB5]  }
0x2f: {  	lr =	sadd.s32 s0, s3;
	s0 =	sld [smem:$0x3FAC]  }
0x30: {  	s3 =	sld [smem:$0x3FAF]  }
0x31: {  	[smem:$0x3FB8] =	sst s10  }
0x32: {  	s10 =	sld [smem:$0x3FB6];
	_ =	sdelay $0x3  }
0x33: {  	p0 =	seq.s32 s10, $0x1;
	s10 =	sld [smem:$0x3FB8];
	_ =	sdelay $0x3  }
0x34: {  	[smem:$0x3FB8] =	sst s10  }
0x35: {  	s10 =	sld [smem:$0x3FB7];
	_ =	sdelay $0x3  }
0x36: {  	p1 =	seq.s32 s10, $0x1;
	s10 =	sld [smem:$0x3FB8];
	_ =	sdelay $0x3  }
0x37: {  	[smem:$0x3FB8] =	sst s10  }
0x38: {  	s10 =	sld [smem:$0x3FB9]  }
0x39: {  	_ = 	snop;
	(pc) =	sbr.ind lr, $3  }
0x3a: {  	_ = 	snop  }
0x3b: {  	_ = 	snop  }
0x3c: {  	p2 =	seq.s32 s10, $0x1;
	s10 =	sld [smem:$0x3FB8]  }
0x3d: {  	_ =	shalt  }
0x3e: {  	_ =	shalt  }
0x3f: {  	_ =	shalt  }
0x40: {  	_ =	shalt  }
0x41: {  	_ =	shalt  }
0x42: {  	_ =	shalt  }
0x43: {  	_ =	shalt  }
0x44: {  	_ =	shalt  }
0x45: {  	_ =	shalt  }
0x46: {  	_ =	shalt  }
0x47: {  	_ =	shalt  }
0x48: {  	_ =	shalt  }
0x49: {  	_ =	shalt  }
0x4a: {  	_ =	shalt  }
0x4b: {  	_ =	shalt  }
0x4c: {  	_ =	shalt  }
0x4d: {  	_ =	shalt  }
0x4e: {  	_ =	shalt  }
0x4f: {  	_ =	shalt  }
0x50: {  	_ =	shalt  }
0x51: {  	_ =	shalt  }
0x52: {  	_ =	shalt  }
0x53: {  	_ =	shalt  }
0x54: {  	_ =	shalt  }
0x55: {  	_ =	shalt  }
0x56: {  	_ =	shalt  }
0x57: {  	_ =	shalt  }
0x58: {  	_ =	shalt  }
0x59: {  	_ =	shalt  }
0x5a: {  	_ =	shalt  }
0x5b: {  	_ =	shalt  }
0x5c: {  	_ =	shalt  }
0x5d: {  	_ =	shalt  }
0x5e: {  	_ =	shalt  }
0x5f: {  	_ =	shalt  }
0x60: {  	_ =	shalt  }
0x61: {  	_ =	shalt  }
0x62: {  	_ =	shalt  }
0x63: {  	_ =	shalt  }
0x64: {  	_ =	shalt  }
0x65: {  	_ =	shalt  }
0x66: {  	_ =	shalt  }
0x67: {  	_ =	shalt  }
0x68: {  	_ =	shalt  }
0x69: {  	_ =	shalt  }
0x6a: {  	_ =	shalt  }
0x6b: {  	_ =	shalt  }
0x6c: {  	_ =	shalt  }
0x6d: {  	_ =	shalt  }
0x6e: {  	_ =	shalt  }
0x6f: {  	_ =	shalt  }
0x70: {  	_ =	shalt  }
0x71: {  	_ =	shalt  }
0x72: {  	_ =	shalt  }
0x73: {  	_ =	shalt  }
0x74: {  	_ =	shalt  }
0x75: {  	_ =	shalt  }
0x76: {  	_ =	shalt  }
0x77: {  	_ =	shalt  }
0x78: {  	_ =	shalt  }
0x79: {  	_ =	shalt  }
0x7a: {  	_ =	shalt  }
0x7b: {  	_ =	shalt  }
0x7c: {  	_ =	shalt  }
0x7d: {  	_ =	shalt  }
0x7e: {  	_ =	shalt  }
0x7f: {  	_ =	shalt  }
0x80: {  	_ =	shalt  }
0x81: {  	_ =	shalt  }
0x82: {  	_ =	shalt  }
0x83: {  	_ =	shalt  }
0x84: {  	_ =	shalt  }
0x85: {  	_ =	shalt  }
0x86: {  	_ =	shalt  }
0x87: {  	_ =	shalt  }
.Lfunc_end0:
.L_simem_size_0:
called_computation_lowered:
.L_overlay_start_0:
0x88: {  	s2 =	sld [smem:$0x3FD9]  }
0x89: {  	s3 =	sld [smem:$0x3FFE];
	_ =	sdelay $0x1  }
0x8a: {  	s1 =	srdreg.scid  }
0x8b: {  	s0 =	sand.u32 $0x1, s1  }
0x8c: {  	s17 =	sshll.u32 s0, $0xA;
	s2 =	sadd.s32 s3, s2  }
0x8d: {  	s2 =	sadd.s32 s2, s17  }
0x8e: {  	[smem:$0x3FC4] =	sst s2  }
0x8f: {  	_ = 	snop  }
0x90: {  	s2 =	sld [smem:$0x3FC9];
	(tm) =	ssettm $0x1  }
0x91: {  	s18 =	sld [smem:$0x3FFB];
	_ =	sdelay $0x3  }
0x92: {  	_ =	strace s18  }
0x93: {  	s3 =	sld [smem:$0x3FFC];
	_ =	sdelay $0x3  }
0x94: {  	_ =	strace s3  }
0x95: {  	s3 =	sld [smem:$0x3FFD];
	_ =	sdelay $0x3  }
0x96: {  	_ =	strace s3  }
0x97: {  	_ =	strace $0x8FFFFFFF  }
0x98: {  	s19 =	sld [smem:$0x3FDB];
	_ =	sdelay $0x1  }
0x99: {  	s4 =	simm.s32 $_scs_section_size  }
0x9a: {  	s5 =	simm.s32 $_size__tile_overlayer_lowered;
	s6 =	simm.s32 $_tile_overlayer_lowered  }
0x9b: {  	s22 =	simm.s32 $0x1BFF;
	s21 =	sshll.u32 s6, $0x1;
	s3 =	sadd.s32 s4, s19  }
0x9c: {  	s7 =	simm.s32 $0x0;
	s20 =	sshll.u32 s5, $0x1;
	s5 =	sadd.s32 s21, s3  }
0x9d: {  	[timem:s7], [sflag:s22] =	dma.local [hbm:s5], s20  }
0x9e: {  	_ =	swait.ge [sflag:s22], s20  }
0x9f: {  	s4 =	ssub.s32 $0x0, s20;
	[sflag:s22] =	ssyncset.done $0x0  }
0xa0: {  	[sflag:s22] =	ssyncadd.s32 s4;
	_ =	sdelay $0x1  }
0xa1: {  	s23 =	simm.s32 $0x1B8B  }
0xa2: {  	_ =	swait.ge [sflag:s23], $0x1  }
0xa3: {  	[sflag:s23] =	ssyncset.done $0x0  }
0xa4: {  	s25 =	simm.s32 $0x1B8E;
	s24 =	sld [smem:$0x3FFE];
	[sflag:s23] =	ssyncadd.s32 $0xFFFFFFFF  }
0xa5: {  	s26 =	simm.s32 $execute0_lowered;
	[smem:$0x3FD2] =	sst s25  }
0xa6: {  	s5 =	sshll.u32 s26, $0x1;
	_ =	strace $0x80000046;
	[dreg:$0x1] =	wrdreg $0xFFFFFFFF  }
0xa7: {  	s28 =	simm.s32 $_size_execute0_lowered;
	s3 =	sadd.s32 s3, s5;
	[dreg:$0x0] =	wrdreg $0x0  }
0xa8: {  	s5 =	sshll.u32 s28, $0x1;
	[dreg:$0x2] =	wrdreg s3  }
0xa9: {  	[dreg:$0x3] =	wrdreg s5  }
0xaa: {  	[dreg:$0x4] =	wrdreg $0xC0  }
0xab: {  	_ =	task [dreg:s7], $0x5FFFF  }
0xac: {  	[dreg:$0x1] =	wrdreg $0xFFFFFFFF  }
0xad: {  	[dreg:$0x0] =	wrdreg $0x60  }
0xae: {  	[dreg:$0x2] =	wrdreg s2  }
0xaf: {  	[dreg:$0x3] =	wrdreg s24  }
0xb0: {  	[dreg:$0x4] =	wrdreg $0x9  }
0xb1: {  	_ =	task.clear_ibuf [dreg:s7], $0x5FFFF;
	_ =	strace $0x90000046  }
0xb2: {  	s29 =	simm.s32 $0x9;
	_ =	strace $0x80000048  }
0xb3: {  	_ =	swait.ge [sflag:s29], $0x1  }
0xb4: {  	[sflag:s29] =	ssyncadd.s32 $0xFFFFFFFF  }
0xb5: {  	_ =	strace $0x90000048  }
0xb6: {  	_ =	sfence  }
0xb7: {  	s30 =	sld [smem:$0x0];
	_ =	sdelay $0x2  }
0xb8: {  	s31 =	sshll.u32 s1, $0xD;
	s1 =	sshrl.u32 s1, $0x2  }
0xb9: {  	s3 =	sand.u32 $0x4000, s31;
	s1 =	sadd.s32 s1, s30  }
0xba: {  	s0 =	sor.u32 s3, s0;
	s1 =	sshll.u32 s1, $0x11  }
0xbb: {  	s0 =	sor.u32 s1, s0  }
0xbc: {  	s0 =	sadd.s32 $0x8F2B, s0  }
0xbd: {  	[sflag:s0] =	ssyncadd.remote.s32 $0x1  }
0xbe: {  	_ =	sfence.sel $0xFFFF  }
0xbf: {  	[dreg:$0x0] =	wrdreg $0xFFFFFFFF;
	(pc) =	sbr.abs _section_cstart, $3  }
0xc0: {  	[dreg:$0x1] =	wrdreg $0xFFFFFFFF  }
0xc1: {  	_ =	task.clear_ibuf [dreg:s7], $0x2FFFF;
	_ =	strace $0x9FFFFFFF  }
0xc2: {  	(tm) =	ssettm $0x7FFFFFFF  }
0xc3: {  	_ =	shalt  }
tec
execute0_lowered:
.L_overlay_start_1:
0x0: {  	(tag) =	ssettag $0x1  }
0x1: {  	s1 =	srdreg.scid  }
0x2: {  	s3 =	rddreg [dreg:$0x0];
	s0 =	stileid.u32  }
0x3: {  	s8 =	rddreg [dreg:$0x1];
	s2 =	simm.s32 $0x0;
	s6 =	sand.u32 $0x1, s1  }
0x4: {  	s4 =	sshll.u32 s0, $0x6;
	s1 =	rddreg [dreg:$0x2];
	s5 =	sshll.u32 s6, $0x5  }
0x5: {  	s7 =	simm.s32 $0x1;
	[smem:$0x7FF] =	sst s2;
	s9 =	sor.u32 s5, s4  }
0x6: {  	_ =	strace $0x80000047;
	s10 =	ssub.s32 $0x2, s6;
	s4 =	sshrl.u32 s9, $0x3  }
0x7: {  	s6 =	simm.s32 $0x20;
	s4 =	sadd.s32 s3, s4;
	s3 =	simm.s32 $0x2  }
0x8: {  	[tilespmem:s2], [sflag:$0x2] =	stream.linear.gather [hbm4b:s4+s2], $0x20, $0x38;
	[tilespmem:$0x420] =	vst v63  }
0x9: {  	s5 =	sadd.s32 $0x600, s8;
	s11 =	sshrl.u32 s10, $0x1;
	_ =	swait.ge [sflag:s3], $0x20  }
0xa: {  	s9 =	sshll.u32 s9, $0x2;
	s31 =	ssub.s32 s10, s11;
	[sflag:s3] =	ssyncset.done $0x0  }
0xb: {  	s8 =	sadd.s32 s9, s8;
	s9 =	smax.u32 s31, $0x1;
	[sflag:s3] =	ssyncadd.s32 $0xFFFFFFE0  }
0xc: {  	[tilespmem:s6], [sflag:$0x1] =	stream.indirect.gather [hbm4b:s5+s6], $0x20, s2, s6, $0xb8;
	[tilespmem:$0x420] =	vst v63  }
0xd: {  	p0 =	sne.s32 s9, $0x1;
	_ =	swait.ge [sflag:s7], $0x400  }
.Ltmp0:
0xe: {  	[sflag:s7] =	ssyncset.done $0x0;
	(pc) =	sbr.rel @!p0 .LBB2_2-.Ltmp0, $4  }
0xf: {  	s8 =	sadd.s32 $0x62200, s8;
	[sflag:s7] =	ssyncadd.s32 $0xFFFFFC00  }
0x10: {  	[hbm4b:s8+s2] =	stream.linear.scatter [tilespmem:s6], [sflag:$0x2], $0x400, $0x38;
	[tilespmem:$0x420] =	vst v63  }
0x11: {  	_ =	swait.ge [sflag:s3], $0x400  }
0x12: {  	s9 =	sadd.s32 $0xFFFFFFFF, s9;
	[sflag:s3] =	ssyncset.done $0x0  }
.LBB2_1:
0x13: {  	p0 =	sne.s32 s9, $0x1;
	s9 =	sadd.s32 $0xFFFFFFFF, s9;
	[sflag:s3] =	ssyncadd.s32 $0xFFFFFC00  }
0x14: {  	[tilespmem:s2], [sflag:$0x2] =	stream.linear.gather [hbm4b:s4+s2], $0x20, $0x38;
	[tilespmem:$0x420] =	vst v63  }
0x15: {  	_ =	swait.ge [sflag:s3], $0x20  }
0x16: {  	[sflag:s3] =	ssyncset.done $0x0  }
0x17: {  	[sflag:s3] =	ssyncadd.s32 $0xFFFFFFE0  }
0x18: {  	[tilespmem:s6], [sflag:$0x1] =	stream.indirect.gather [hbm4b:s5+s6], $0x20, s2, s6, $0xb8;
	[tilespmem:$0x420] =	vst v63  }
0x19: {  	_ =	swait.ge [sflag:s7], $0x400  }
.Ltmp1:
0x1a: {  	[sflag:s7] =	ssyncset.done $0x0;
	(pc) =	sbr.rel @p0 .LBB2_1-.Ltmp1, $4  }
0x1b: {  	[sflag:s7] =	ssyncadd.s32 $0xFFFFFC00  }
0x1c: {  	[hbm4b:s8+s2] =	stream.linear.scatter [tilespmem:s6], [sflag:$0x2], $0x400, $0x38;
	[tilespmem:$0x420] =	vst v63  }
0x1d: {  	_ =	swait.ge [sflag:s3], $0x400  }
0x1e: {  	[sflag:s3] =	ssyncset.done $0x0  }
.LBB2_2:
0x1f: {  	[sflag:s3] =	ssyncadd.s32 $0xFFFFFC00  }
0x20: {  	_ =	sfence.sel $0x180000  }
0x21: {  	[bflag:$0x0] =	sbarrier.arrive $0xFFFF  }
0x22: {  	p0 =	sne.s32 s0, $0x0;
	_ =	strace $0x90000047  }
0x23: {  	s0 =	sadd.s32 @!p0 $0x100000, s1;
	[bflag:$0x2] =	sbarrier.arrive $0xFFFF  }
0x24: {  	[sflag:s0] =	ssyncadd.tile.s32 @!p0 $0x1;
	_ =	shalt  }
.Lfunc_end2:
_tile_overlayer_lowered:
.L_overlay_start_2:
0x25: {  	(tag) =	ssettag $0x2  }
0x26: {  	s0 =	rddreg [dreg:$0x0];
	s2 =	stileid.u32  }
0x27: {  	s1 =	rddreg [dreg:$0x1];
	p0 =	sne.s32 s2, $0x0  }
0x28: {  	s3 =	rddreg [dreg:$0x2];
	[bflag:$0x3] =	sbarrier.arrive $0xFFFF;
	s2 =	simm.s32 @!p0 $0x1C02  }
0x29: {  	[timem:s3], [sflag:s2] =	dma.local @!p0 [hbm:s0], s1  }
0x2a: {  	s0 =	simm.s32 @!p0 $0x2  }
0x2b: {  	_ =	swait.ge @!p0 [sflag:s0], s1  }
0x2c: {  	s1 =	ssub.s32 @!p0 $0x0, s1;
	[sflag:s0] =	ssyncset.done @!p0 $0x0  }
0x2d: {  	[sflag:s0] =	ssyncadd.s32 @!p0 s1  }
0x2e: {  	[bflag:$0x3] =	sbarrier.arrive $0xFFFF  }
0x2f: {  	_ =	shalt  }

</sc_bundles>
